<compile_context>
chip_gen: v7x
topology: tpu7x:2x2x1
jax: 0.10.2.dev20260603
libtpu: 0.0.44.dev20260713+nightly
codegen_flags: <defaults>
</compile_context>

<pallas_src>
import functools

import jax
import jax.numpy as jnp
from jax import lax
from jax.experimental import pallas as pl
from jax.experimental.pallas import tpu as pltpu
from jax.experimental.pallas import tpu_sc as plsc

_N, _E, _D = 10000, 320000, 128
_TILES = 32
_NPAD = 10240
_RPT = _NPAD // 16
_CH = 128
_NCH2 = 2 * (-(-_E // (_TILES * _CH)) * _TILES // 16 // 2)
_NCH0 = 98
_NCH1 = _NCH2 - _NCH0
_EPAD = 16 * _NCH2 * _CH

_BN = 1024


@functools.cache
def _sc_aggregate(with_deg):
    mesh = plsc.VectorSubcoreMesh(
        core_axis_name="c", subcore_axis_name="s", num_cores=2, num_subcores=16
    )

    def body(h_hbm, src_hbm, dst_hbm, zrow_hbm, zdeg_hbm, ones_hbm, *rest):
        if with_deg:
            (acc_out, deg_out, src_a, dst_a, src_b, dst_b, rows_a, rows_b,
             ones_v, acc_sh, deg_sh, sema, semb) = rest
        else:
            (acc_out, src_a, dst_a, src_b, dst_b, rows_a, rows_b,
             ones_v, acc_sh, sema, semb) = rest
        c = lax.axis_index("c")
        s = lax.axis_index("s")
        tid = c * 16 + s
        pltpu.sync_copy(ones_hbm, ones_v)
        pltpu.sync_copy(zrow_hbm, acc_sh.at[pl.ds(s * _RPT, _RPT)])
        if with_deg:
            pltpu.sync_copy(zdeg_hbm, deg_sh.at[pl.ds(s * _RPT, _RPT)])
        plsc.subcore_barrier()

        my_nch = jnp.where(c == 0, _NCH0, _NCH1)

        base = jnp.where(c == 0, s * _NCH0, 16 * _NCH0 + s * _NCH1) * _CH

        def pair(i, carry):
            offa = base + (2 * i) * _CH
            offb = base + (2 * i + 1) * _CH
            pltpu.sync_copy(src_hbm.at[pl.ds(offa, _CH)], src_a)
            pltpu.sync_copy(dst_hbm.at[pl.ds(offa, _CH)], dst_a)
            ga = pltpu.async_copy(h_hbm.at[src_a], rows_a, sema)
            pltpu.sync_copy(src_hbm.at[pl.ds(offb, _CH)], src_b)
            pltpu.sync_copy(dst_hbm.at[pl.ds(offb, _CH)], dst_b)
            gb = pltpu.async_copy(h_hbm.at[src_b], rows_b, semb)
            ga.wait()
            pltpu.sync_copy(rows_a, acc_sh.at[dst_a], add=True)
            if with_deg:
                pltpu.sync_copy(ones_v, deg_sh.at[dst_a], add=True)
            gb.wait()
            pltpu.sync_copy(rows_b, acc_sh.at[dst_b], add=True)
            if with_deg:
                pltpu.sync_copy(ones_v, deg_sh.at[dst_b], add=True)
            return carry

        lax.fori_loop(0, my_nch // 2, pair, 0)
        plsc.subcore_barrier()
        pltpu.sync_copy(acc_sh.at[pl.ds(s * _RPT, _RPT)],
                        acc_out.at[c, pl.ds(s * _RPT, _RPT)])
        if with_deg:
            pltpu.sync_copy(deg_sh.at[pl.ds(s * _RPT, _RPT)],
                            deg_out.at[c, pl.ds(s * _RPT, _RPT)])

    out_type = [jax.ShapeDtypeStruct((2, _NPAD, _D), jnp.float32)]
    scratch = [
        pltpu.VMEM((_CH,), jnp.int32),
        pltpu.VMEM((_CH,), jnp.int32),
        pltpu.VMEM((_CH,), jnp.int32),
        pltpu.VMEM((_CH,), jnp.int32),
        pltpu.VMEM((_CH, _D), jnp.float32),
        pltpu.VMEM((_CH, _D), jnp.float32),
        pltpu.VMEM((_CH,), jnp.float32),
        pltpu.VMEM_SHARED((_NPAD, _D), jnp.float32),
    ]
    if with_deg:
        out_type.append(jax.ShapeDtypeStruct((2, _NPAD), jnp.float32))
        scratch.append(pltpu.VMEM_SHARED((_NPAD,), jnp.float32))
    scratch.append(pltpu.SemaphoreType.DMA)
    scratch.append(pltpu.SemaphoreType.DMA)
    return pl.kernel(body, out_type=tuple(out_type), mesh=mesh,
                     scratch_types=scratch)


def _layer_body(relu, h_ref, acc_ref, d0_ref, d1_ref, ws_ref, wn_ref, b_ref,
                o_ref):
    inv = 1.0 / jnp.maximum(d0_ref[...] + d1_ref[...], 1.0)
    hn = (acc_ref[0] + acc_ref[1]) * inv
    out = (jnp.dot(h_ref[...], ws_ref[...], preferred_element_type=jnp.float32)
           + jnp.dot(hn, wn_ref[...], preferred_element_type=jnp.float32)
           + b_ref[...])
    if relu:
        out = jnp.maximum(out, 0.0)
    o_ref[...] = out


def _layer_call(h, acc, d0, d1, ws, wn, b, relu):
    return pl.pallas_call(
        functools.partial(_layer_body, relu),
        grid=(_NPAD // _BN,),
        in_specs=[
            pl.BlockSpec((_BN, _D), lambda i: (i, 0)),
            pl.BlockSpec((2, _BN, _D), lambda i: (0, i, 0)),
            pl.BlockSpec((_BN, 1), lambda i: (i, 0)),
            pl.BlockSpec((_BN, 1), lambda i: (i, 0)),
            pl.BlockSpec((_D, _D), lambda i: (0, 0)),
            pl.BlockSpec((_D, _D), lambda i: (0, 0)),
            pl.BlockSpec((1, _D), lambda i: (0, 0)),
        ],
        out_specs=pl.BlockSpec((_BN, _D), lambda i: (i, 0)),
        out_shape=jax.ShapeDtypeStruct((_NPAD, _D), jnp.float32),
    )(h, acc, d0, d1, ws, wn, b)


def kernel(x, edge_index, W_self1, W_neigh1, b1, W_self2, W_neigh2, b2):
    src = edge_index[0]
    dst = edge_index[1]
    pad_e = _EPAD - _E
    src_p = jnp.concatenate([src, jnp.zeros((pad_e,), jnp.int32)])
    dst_p = jnp.concatenate([dst, jnp.full((pad_e,), _N, jnp.int32)])

    x_p = jnp.pad(x, ((0, _NPAD - _N), (0, 0)))
    zrow = jnp.zeros((_RPT, _D), jnp.float32)
    zdeg = jnp.zeros((_RPT,), jnp.float32)
    ones = jnp.ones((_CH,), jnp.float32)

    acc1, deg = _sc_aggregate(True)(x_p, src_p, dst_p, zrow, zdeg, ones)
    d0 = deg[0].reshape(_NPAD, 1)
    d1 = deg[1].reshape(_NPAD, 1)
    h1 = _layer_call(x_p, acc1, d0, d1, W_self1, W_neigh1,
                     b1.reshape(1, _D), relu=True)
    (acc2,) = _sc_aggregate(False)(h1, src_p, dst_p, zrow, zdeg, ones)
    h2 = _layer_call(h1, acc2, d0, d1, W_self2, W_neigh2,
                     b2.reshape(1, _D), relu=False)

    fl = (_N * (4 * _D * _D) + _E * 2 * _D) / 1e12
    total_flops = jnp.asarray(fl + fl, dtype=jnp.float32)
    return h2[:_N], total_flops

# --- scband reference (transcript-rebuilt; emitter-appended) ---
"""Pipeline reference for scband-graph-sage-37203006718149 (READ-ONLY COPY).

The authoritative reference and input builder live on the scoring server;
editing this copy changes nothing except your own understanding.
"""

import jax, jax.numpy as jnp
import numpy as np

N = 10000
E = 320000
D = 128


def setup_inputs(seed: int = 0) -> dict:
    key = jax.random.key(seed)
    ks = jax.random.split(key, 10)
    x = jax.random.normal(ks[0], (N, D), dtype=jnp.float32)
    edge_index = jax.random.randint(ks[1], (2, E), 0, N, dtype=jnp.int32)
    scale = 1.0 / np.sqrt(D)
    W_self1 = jax.random.normal(ks[2], (D, D), dtype=jnp.float32) * scale
    W_neigh1 = jax.random.normal(ks[3], (D, D), dtype=jnp.float32) * scale
    b1 = jnp.zeros((D,), dtype=jnp.float32)
    W_self2 = jax.random.normal(ks[4], (D, D), dtype=jnp.float32) * scale
    W_neigh2 = jax.random.normal(ks[5], (D, D), dtype=jnp.float32) * scale
    b2 = jnp.zeros((D,), dtype=jnp.float32)
    return {"x": x, "edge_index": edge_index, "W_self1": W_self1, "W_neigh1": W_neigh1, "b1": b1, "W_self2": W_self2, "W_neigh2": W_neigh2, "b2": b2}


def _sage_layer(h, edge_index, W_self, W_neigh, b):
    # DGL SAGEConv with mean aggregator (full-graph block: src == dst nodes):
    # h_neigh = mean over in-neighbors; out = fc_self(h_dst) + fc_neigh(h_neigh)
    src = edge_index[0]
    dst = edge_index[1]
    msg = jnp.take(h, src, axis=0)
    summed = jax.ops.segment_sum(msg, dst, num_segments=N)
    deg = jax.ops.segment_sum(jnp.ones((E,), dtype=jnp.float32), dst, num_segments=N)
    h_neigh = summed / jnp.maximum(deg, 1.0)[:, None]
    return h @ W_self + b + h_neigh @ W_neigh


def reference(x, edge_index, W_self1, W_neigh1, b1, W_self2, W_neigh2, b2):
    h = _sage_layer(x, edge_index, W_self1, W_neigh1, b1)
    h = jax.nn.relu(h)
    # dropout p=0.0 -> identity
    h = _sage_layer(h, edge_index, W_self2, W_neigh2, b2)
    # FLOPs bookkeeping (matches calculate_graphsage_flops_full_graph_per_layer)
    flops_l1 = (N * (4 * D * D) + E * 2 * D) / 1e12
    flops_l2 = (N * (4 * D * D) + E * 2 * D) / 1e12
    total_flops = jnp.asarray(flops_l1 + flops_l2, dtype=jnp.float32)
    return (h, total_flops)

if __name__ == "__main__":
    import jax
    _d = setup_inputs()
    print(jax.jit(kernel)(*tuple(_d.values())))

</pallas_src>

<mosaic_0001>
#map = affine_map<(d0, d1) -> (0, 0)>
#map1 = affine_map<(d0, d1) -> (0)>
#map2 = affine_map<(d0, d1) -> (0, 0, 0)>
module attributes {stable_mosaic.version = 14 : i64} {
  func.func @body(%arg0: i32, %arg1: i32, %arg2: memref<10240x128xf32, #tpu.memory_space<hbm>>, %arg3: memref<323584xi32, #tpu.memory_space<hbm>>, %arg4: memref<323584xi32, #tpu.memory_space<hbm>>, %arg5: memref<640x128xf32, #tpu.memory_space<hbm>>, %arg6: memref<640xf32, #tpu.memory_space<hbm>>, %arg7: memref<128xf32, #tpu.memory_space<hbm>>, %arg8: memref<2x10240x128xf32, #tpu.memory_space<hbm>>, %arg9: memref<2x10240xf32, #tpu.memory_space<hbm>>, %arg10: memref<128xi32, #tpu.memory_space<vmem>>, %arg11: memref<128xi32, #tpu.memory_space<vmem>>, %arg12: memref<128xi32, #tpu.memory_space<vmem>>, %arg13: memref<128xi32, #tpu.memory_space<vmem>>, %arg14: memref<128x128xf32, #tpu.memory_space<vmem>>, %arg15: memref<128x128xf32, #tpu.memory_space<vmem>>, %arg16: memref<128xf32, #tpu.memory_space<vmem>>, %arg17: memref<10240x128xf32, #tpu.memory_space<vmem_shared>>, %arg18: memref<10240xf32, #tpu.memory_space<vmem_shared>>, %arg19: memref<!tpu.dma_semaphore, #tpu.memory_space<semaphore_mem>>, %arg20: memref<!tpu.dma_semaphore, #tpu.memory_space<semaphore_mem>>) attributes {dimension_semantics = [#tpu.dimension_semantics<core_parallel>, #tpu.dimension_semantics<subcore_parallel>], iteration_bounds = array<i64: 2, 16>, scalar_prefetch = 0 : i64, scratch_operands = 11 : i64, tpu.core_type = #tpu.core_type<sc_vector_subcore>, window_params = [{transform_indices = #map}, {transform_indices = #map1}, {transform_indices = #map1}, {transform_indices = #map}, {transform_indices = #map1}, {transform_indices = #map1}, {transform_indices = #map2}, {transform_indices = #map}]} {
    %mul3A = arith.constant 16 : i32
    %mul3A_0 = arith.muli %arg0, %mul3A : i32
    %add3A = arith.addi %mul3A_0, %arg1 : i32
    "tpu.region"() ({
      %run_scoped3A = tpu.sem_alloc : memref<!tpu.dma_semaphore, #tpu.memory_space<semaphore_mem>>
      tpu.enqueue_dma source(%arg7 : memref<128xf32, #tpu.memory_space<hbm>>) target(%arg16 : memref<128xf32, #tpu.memory_space<vmem>>) target_semaphore(%run_scoped3A : memref<!tpu.dma_semaphore, #tpu.memory_space<semaphore_mem>>)
      tpu.wait_dma2 semaphore(%run_scoped3A : memref<!tpu.dma_semaphore, #tpu.memory_space<semaphore_mem>>) src(%arg7 : memref<128xf32, #tpu.memory_space<hbm>>) dst(%arg16 : memref<128xf32, #tpu.memory_space<vmem>>)
      tpu.yield
    }) : () -> ()
    %mul3A_1 = arith.constant 640 : i32
    %mul3A_2 = arith.muli %arg1, %mul3A_1 : i32
    "tpu.region"() ({
      %run_scoped3A = tpu.sem_alloc : memref<!tpu.dma_semaphore, #tpu.memory_space<semaphore_mem>>
      %dma_start3A = arith.constant 0 : i32
      %dma_start3A_54 = tpu.memref_slice %arg17[%mul3A_2, %dma_start3A] : memref<10240x128xf32, #tpu.memory_space<vmem_shared>> -> memref<640x128xf32, #tpu.memory_space<vmem_shared>>
      tpu.enqueue_dma source(%arg5 : memref<640x128xf32, #tpu.memory_space<hbm>>) target(%dma_start3A_54 : memref<640x128xf32, #tpu.memory_space<vmem_shared>>) target_semaphore(%run_scoped3A : memref<!tpu.dma_semaphore, #tpu.memory_space<semaphore_mem>>)
      %dma_wait3A = arith.constant 0 : i32
      %dma_wait3A_55 = tpu.memref_slice %arg17[%mul3A_2, %dma_wait3A] : memref<10240x128xf32, #tpu.memory_space<vmem_shared>> -> memref<640x128xf32, #tpu.memory_space<vmem_shared>>
      tpu.wait_dma2 semaphore(%run_scoped3A : memref<!tpu.dma_semaphore, #tpu.memory_space<semaphore_mem>>) src(%arg5 : memref<640x128xf32, #tpu.memory_space<hbm>>) dst(%dma_wait3A_55 : memref<640x128xf32, #tpu.memory_space<vmem_shared>>)
      tpu.yield
    }) : () -> ()
    %mul3A_3 = arith.constant 640 : i32
    %mul3A_4 = arith.muli %arg1, %mul3A_3 : i32
    "tpu.region"() ({
      %run_scoped3A = tpu.sem_alloc : memref<!tpu.dma_semaphore, #tpu.memory_space<semaphore_mem>>
      %dma_start3A = tpu.memref_slice %arg18[%mul3A_4] : memref<10240xf32, #tpu.memory_space<vmem_shared>> -> memref<640xf32, #tpu.memory_space<vmem_shared>>
      tpu.enqueue_dma source(%arg6 : memref<640xf32, #tpu.memory_space<hbm>>) target(%dma_start3A : memref<640xf32, #tpu.memory_space<vmem_shared>>) target_semaphore(%run_scoped3A : memref<!tpu.dma_semaphore, #tpu.memory_space<semaphore_mem>>)
      %dma_wait3A = tpu.memref_slice %arg18[%mul3A_4] : memref<10240xf32, #tpu.memory_space<vmem_shared>> -> memref<640xf32, #tpu.memory_space<vmem_shared>>
      tpu.wait_dma2 semaphore(%run_scoped3A : memref<!tpu.dma_semaphore, #tpu.memory_space<semaphore_mem>>) src(%arg6 : memref<640xf32, #tpu.memory_space<hbm>>) dst(%dma_wait3A : memref<640xf32, #tpu.memory_space<vmem_shared>>)
      tpu.yield
    }) : () -> ()
    %barrier3A = arith.constant 0 : index
    tpu.barrier barrier_id(%barrier3A)
    %eq3A = arith.constant 0 : i32
    %eq3A_5 = arith.cmpi eq, %arg0, %eq3A : i32
    %jit3A = arith.constant 98 : i32
    %jit3A_6 = arith.constant 60 : i32
    %select_n3A = arith.select %eq3A_5, %jit3A, %jit3A_6 : i32
    %eq3A_7 = arith.constant 0 : i32
    %eq3A_8 = arith.cmpi eq, %arg0, %eq3A_7 : i32
    %mul3A_9 = arith.constant 98 : i32
    %mul3A_10 = arith.muli %arg1, %mul3A_9 : i32
    %mul3A_11 = arith.constant 60 : i32
    %mul3A_12 = arith.muli %arg1, %mul3A_11 : i32
    %add3A_13 = arith.constant 1568 : i32
    %add3A_14 = arith.addi %add3A_13, %mul3A_12 : i32
    %select_n3A_15 = arith.select %eq3A_8, %mul3A_10, %add3A_14 : i32
    %mul3A_16 = arith.constant 128 : i32
    %mul3A_17 = arith.muli %select_n3A_15, %mul3A_16 : i32
    %jit3A_18 = arith.constant 2 : i32
    %div3A = arith.divsi %select_n3A, %jit3A_18 : i32
    %sign3A = arith.constant 0 : i32
    %sign3A_19 = arith.cmpi sgt, %select_n3A, %sign3A : i32
    %sign3A_20 = arith.extui %sign3A_19 : i1 to i32
    %sign3A_21 = arith.constant 0 : i32
    %sign3A_22 = arith.cmpi slt, %select_n3A, %sign3A_21 : i32
    %sign3A_23 = arith.extui %sign3A_22 : i1 to i32
    %sign3A_24 = arith.subi %sign3A_20, %sign3A_23 : i32
    %sign3A_25 = arith.constant 0 : i32
    %sign3A_26 = arith.cmpi sgt, %jit3A_18, %sign3A_25 : i32
    %sign3A_27 = arith.extui %sign3A_26 : i1 to i32
    %sign3A_28 = arith.constant 0 : i32
    %sign3A_29 = arith.cmpi slt, %jit3A_18, %sign3A_28 : i32
    %sign3A_30 = arith.extui %sign3A_29 : i1 to i32
    %sign3A_31 = arith.subi %sign3A_27, %sign3A_30 : i32
    %ne3A = arith.cmpi ne, %sign3A_24, %sign3A_31 : i32
    %rem3A = arith.remsi %select_n3A, %jit3A_18 : i32
    %ne3A_32 = arith.constant 0 : i32
    %ne3A_33 = arith.cmpi ne, %rem3A, %ne3A_32 : i32
    %and3A = arith.andi %ne3A, %ne3A_33 : i1
    %sub3A = arith.constant 1 : i32
    %sub3A_34 = arith.subi %div3A, %sub3A : i32
    %select_n3A_35 = arith.select %and3A, %sub3A_34, %div3A : i32
    %while3A = arith.constant 0 : i32
    %while3A_36 = arith.constant 0 : i32
    %while3A_37 = arith.subi %select_n3A_35, %while3A_36 : i32
    %while3A_38 = arith.addi %while3A_36, %while3A_37 : i32
    %while3A_39 = arith.constant 1 : i32
    %while3A_40 = arith.divsi %while3A_37, %while3A_39 : i32
    %while3A_41 = arith.muli %while3A_40, %while3A_39 : i32
    %while3A_42 = arith.addi %while3A_36, %while3A_41 : i32
    %while3A_43 = arith.constant 1 : i32
    scf.for %while3A_54 = %while3A_36 to %while3A_42 step %while3A_43  : i32 {
      %mul3A_55 = arith.constant 2 : i32
      %mul3A_56 = arith.muli %mul3A_55, %while3A_54 : i32
      %mul3A_57 = arith.constant 128 : i32
      %mul3A_58 = arith.muli %mul3A_56, %mul3A_57 : i32
      %add3A_59 = arith.addi %mul3A_17, %mul3A_58 : i32
      %mul3A_60 = arith.constant 2 : i32
      %mul3A_61 = arith.muli %mul3A_60, %while3A_54 : i32
      %add3A_62 = arith.constant 1 : i32
      %add3A_63 = arith.addi %mul3A_61, %add3A_62 : i32
      %mul3A_64 = arith.constant 128 : i32
      %mul3A_65 = arith.muli %add3A_63, %mul3A_64 : i32
      %add3A_66 = arith.addi %mul3A_17, %mul3A_65 : i32
      "tpu.region"() ({
        %run_scoped3A = tpu.sem_alloc : memref<!tpu.dma_semaphore, #tpu.memory_space<semaphore_mem>>
        %dma_start3A_77 = tpu.memref_slice %arg3[%add3A_59] : memref<323584xi32, #tpu.memory_space<hbm>> -> memref<128xi32, #tpu.memory_space<hbm>>
        %dma_start3A_78 = tpu.memref_slice %arg3[%add3A_59] : memref<323584xi32, #tpu.memory_space<hbm>> -> memref<128xi32, #tpu.memory_space<hbm>>
        tpu.enqueue_dma source(%dma_start3A_78 : memref<128xi32, #tpu.memory_space<hbm>>) target(%arg10 : memref<128xi32, #tpu.memory_space<vmem>>) target_semaphore(%run_scoped3A : memref<!tpu.dma_semaphore, #tpu.memory_space<semaphore_mem>>)
        %dma_wait3A_79 = tpu.memref_slice %arg3[%add3A_59] : memref<323584xi32, #tpu.memory_space<hbm>> -> memref<128xi32, #tpu.memory_space<hbm>>
        %dma_wait3A_80 = tpu.memref_slice %arg3[%add3A_59] : memref<323584xi32, #tpu.memory_space<hbm>> -> memref<128xi32, #tpu.memory_space<hbm>>
        tpu.wait_dma2 semaphore(%run_scoped3A : memref<!tpu.dma_semaphore, #tpu.memory_space<semaphore_mem>>) src(%dma_wait3A_80 : memref<128xi32, #tpu.memory_space<hbm>>) dst(%arg10 : memref<128xi32, #tpu.memory_space<vmem>>)
        tpu.yield
      }) : () -> ()
      "tpu.region"() ({
        %run_scoped3A = tpu.sem_alloc : memref<!tpu.dma_semaphore, #tpu.memory_space<semaphore_mem>>
        %dma_start3A_77 = tpu.memref_slice %arg4[%add3A_59] : memref<323584xi32, #tpu.memory_space<hbm>> -> memref<128xi32, #tpu.memory_space<hbm>>
        %dma_start3A_78 = tpu.memref_slice %arg4[%add3A_59] : memref<323584xi32, #tpu.memory_space<hbm>> -> memref<128xi32, #tpu.memory_space<hbm>>
        tpu.enqueue_dma source(%dma_start3A_78 : memref<128xi32, #tpu.memory_space<hbm>>) target(%arg11 : memref<128xi32, #tpu.memory_space<vmem>>) target_semaphore(%run_scoped3A : memref<!tpu.dma_semaphore, #tpu.memory_space<semaphore_mem>>)
        %dma_wait3A_79 = tpu.memref_slice %arg4[%add3A_59] : memref<323584xi32, #tpu.memory_space<hbm>> -> memref<128xi32, #tpu.memory_space<hbm>>
        %dma_wait3A_80 = tpu.memref_slice %arg4[%add3A_59] : memref<323584xi32, #tpu.memory_space<hbm>> -> memref<128xi32, #tpu.memory_space<hbm>>
        tpu.wait_dma2 semaphore(%run_scoped3A : memref<!tpu.dma_semaphore, #tpu.memory_space<semaphore_mem>>) src(%dma_wait3A_80 : memref<128xi32, #tpu.memory_space<hbm>>) dst(%arg11 : memref<128xi32, #tpu.memory_space<vmem>>)
        tpu.yield
      }) : () -> ()
      %dma_start3A = arith.constant 0 : i32
      %dma_start3A_67 = arith.constant 0 : i32
      %dma_start3A_68 = tpu.memref_slice %arg2[%dma_start3A, %dma_start3A_67] : memref<10240x128xf32, #tpu.memory_space<hbm>> -> memref<10240x128xf32, #tpu.memory_space<hbm>>
      tpu.enqueue_indirect_dma source(%dma_start3A_68 : memref<10240x128xf32, #tpu.memory_space<hbm>>) target(%arg14 : memref<128x128xf32, #tpu.memory_space<vmem>>) offsets(%arg10 : memref<128xi32, #tpu.memory_space<vmem>>) semaphore(%arg19 : memref<!tpu.dma_semaphore, #tpu.memory_space<semaphore_mem>>)
      "tpu.region"() ({
        %run_scoped3A = tpu.sem_alloc : memref<!tpu.dma_semaphore, #tpu.memory_space<semaphore_mem>>
        %dma_start3A_77 = tpu.memref_slice %arg3[%add3A_66] : memref<323584xi32, #tpu.memory_space<hbm>> -> memref<128xi32, #tpu.memory_space<hbm>>
        %dma_start3A_78 = tpu.memref_slice %arg3[%add3A_66] : memref<323584xi32, #tpu.memory_space<hbm>> -> memref<128xi32, #tpu.memory_space<hbm>>
        tpu.enqueue_dma source(%dma_start3A_78 : memref<128xi32, #tpu.memory_space<hbm>>) target(%arg12 : memref<128xi32, #tpu.memory_space<vmem>>) target_semaphore(%run_scoped3A : memref<!tpu.dma_semaphore, #tpu.memory_space<semaphore_mem>>)
        %dma_wait3A_79 = tpu.memref_slice %arg3[%add3A_66] : memref<323584xi32, #tpu.memory_space<hbm>> -> memref<128xi32, #tpu.memory_space<hbm>>
        %dma_wait3A_80 = tpu.memref_slice %arg3[%add3A_66] : memref<323584xi32, #tpu.memory_space<hbm>> -> memref<128xi32, #tpu.memory_space<hbm>>
        tpu.wait_dma2 semaphore(%run_scoped3A : memref<!tpu.dma_semaphore, #tpu.memory_space<semaphore_mem>>) src(%dma_wait3A_80 : memref<128xi32, #tpu.memory_space<hbm>>) dst(%arg12 : memref<128xi32, #tpu.memory_space<vmem>>)
        tpu.yield
      }) : () -> ()
      "tpu.region"() ({
        %run_scoped3A = tpu.sem_alloc : memref<!tpu.dma_semaphore, #tpu.memory_space<semaphore_mem>>
        %dma_start3A_77 = tpu.memref_slice %arg4[%add3A_66] : memref<323584xi32, #tpu.memory_space<hbm>> -> memref<128xi32, #tpu.memory_space<hbm>>
        %dma_start3A_78 = tpu.memref_slice %arg4[%add3A_66] : memref<323584xi32, #tpu.memory_space<hbm>> -> memref<128xi32, #tpu.memory_space<hbm>>
        tpu.enqueue_dma source(%dma_start3A_78 : memref<128xi32, #tpu.memory_space<hbm>>) target(%arg13 : memref<128xi32, #tpu.memory_space<vmem>>) target_semaphore(%run_scoped3A : memref<!tpu.dma_semaphore, #tpu.memory_space<semaphore_mem>>)
        %dma_wait3A_79 = tpu.memref_slice %arg4[%add3A_66] : memref<323584xi32, #tpu.memory_space<hbm>> -> memref<128xi32, #tpu.memory_space<hbm>>
        %dma_wait3A_80 = tpu.memref_slice %arg4[%add3A_66] : memref<323584xi32, #tpu.memory_space<hbm>> -> memref<128xi32, #tpu.memory_space<hbm>>
        tpu.wait_dma2 semaphore(%run_scoped3A : memref<!tpu.dma_semaphore, #tpu.memory_space<semaphore_mem>>) src(%dma_wait3A_80 : memref<128xi32, #tpu.memory_space<hbm>>) dst(%arg13 : memref<128xi32, #tpu.memory_space<vmem>>)
        tpu.yield
      }) : () -> ()
      %dma_start3A_69 = arith.constant 0 : i32
      %dma_start3A_70 = arith.constant 0 : i32
      %dma_start3A_71 = tpu.memref_slice %arg2[%dma_start3A_69, %dma_start3A_70] : memref<10240x128xf32, #tpu.memory_space<hbm>> -> memref<10240x128xf32, #tpu.memory_space<hbm>>
      tpu.enqueue_indirect_dma source(%dma_start3A_71 : memref<10240x128xf32, #tpu.memory_space<hbm>>) target(%arg15 : memref<128x128xf32, #tpu.memory_space<vmem>>) offsets(%arg12 : memref<128xi32, #tpu.memory_space<vmem>>) semaphore(%arg20 : memref<!tpu.dma_semaphore, #tpu.memory_space<semaphore_mem>>)
      %dma_wait3A = arith.constant 0 : i32
      %dma_wait3A_72 = arith.constant 0 : i32
      %dma_wait3A_73 = tpu.memref_slice %arg2[%dma_wait3A, %dma_wait3A_72] : memref<10240x128xf32, #tpu.memory_space<hbm>> -> memref<10240x128xf32, #tpu.memory_space<hbm>>
      tpu.wait_indirect_dma semaphore(%arg19 : memref<!tpu.dma_semaphore, #tpu.memory_space<semaphore_mem>>) src(%dma_wait3A_73 : memref<10240x128xf32, #tpu.memory_space<hbm>>) dst(%arg14 : memref<128x128xf32, #tpu.memory_space<vmem>>)
      "tpu.region"() ({
        %run_scoped3A = tpu.sem_alloc : memref<!tpu.dma_semaphore, #tpu.memory_space<semaphore_mem>>
        %dma_start3A_77 = arith.constant 0 : i32
        %dma_start3A_78 = arith.constant 0 : i32
        %dma_start3A_79 = tpu.memref_slice %arg17[%dma_start3A_77, %dma_start3A_78] : memref<10240x128xf32, #tpu.memory_space<vmem_shared>> -> memref<10240x128xf32, #tpu.memory_space<vmem_shared>>
        tpu.enqueue_indirect_dma source(%arg14 : memref<128x128xf32, #tpu.memory_space<vmem>>) target(%dma_start3A_79 : memref<10240x128xf32, #tpu.memory_space<vmem_shared>>) offsets(%arg11 : memref<128xi32, #tpu.memory_space<vmem>>) semaphore(%run_scoped3A : memref<!tpu.dma_semaphore, #tpu.memory_space<semaphore_mem>>) {add = true}
        %dma_wait3A_80 = arith.constant 0 : i32
        %dma_wait3A_81 = arith.constant 0 : i32
        %dma_wait3A_82 = tpu.memref_slice %arg17[%dma_wait3A_80, %dma_wait3A_81] : memref<10240x128xf32, #tpu.memory_space<vmem_shared>> -> memref<10240x128xf32, #tpu.memory_space<vmem_shared>>
        tpu.wait_indirect_dma semaphore(%run_scoped3A : memref<!tpu.dma_semaphore, #tpu.memory_space<semaphore_mem>>) src(%arg14 : memref<128x128xf32, #tpu.memory_space<vmem>>) dst(%dma_wait3A_82 : memref<10240x128xf32, #tpu.memory_space<vmem_shared>>)
        tpu.yield
      }) : () -> ()
      "tpu.region"() ({
        %run_scoped3A = tpu.sem_alloc : memref<!tpu.dma_semaphore, #tpu.memory_space<semaphore_mem>>
        %dma_start3A_77 = arith.constant 0 : i32
        %dma_start3A_78 = tpu.memref_slice %arg18[%dma_start3A_77] : memref<10240xf32, #tpu.memory_space<vmem_shared>> -> memref<10240xf32, #tpu.memory_space<vmem_shared>>
        tpu.enqueue_indirect_dma source(%arg16 : memref<128xf32, #tpu.memory_space<vmem>>) target(%dma_start3A_78 : memref<10240xf32, #tpu.memory_space<vmem_shared>>) offsets(%arg11 : memref<128xi32, #tpu.memory_space<vmem>>) semaphore(%run_scoped3A : memref<!tpu.dma_semaphore, #tpu.memory_space<semaphore_mem>>) {add = true}
        %dma_wait3A_79 = arith.constant 0 : i32
        %dma_wait3A_80 = tpu.memref_slice %arg18[%dma_wait3A_79] : memref<10240xf32, #tpu.memory_space<vmem_shared>> -> memref<10240xf32, #tpu.memory_space<vmem_shared>>
        tpu.wait_indirect_dma semaphore(%run_scoped3A : memref<!tpu.dma_semaphore, #tpu.memory_space<semaphore_mem>>) src(%arg16 : memref<128xf32, #tpu.memory_space<vmem>>) dst(%dma_wait3A_80 : memref<10240xf32, #tpu.memory_space<vmem_shared>>)
        tpu.yield
      }) : () -> ()
      %dma_wait3A_74 = arith.constant 0 : i32
      %dma_wait3A_75 = arith.constant 0 : i32
      %dma_wait3A_76 = tpu.memref_slice %arg2[%dma_wait3A_74, %dma_wait3A_75] : memref<10240x128xf32, #tpu.memory_space<hbm>> -> memref<10240x128xf32, #tpu.memory_space<hbm>>
      tpu.wait_indirect_dma semaphore(%arg20 : memref<!tpu.dma_semaphore, #tpu.memory_space<semaphore_mem>>) src(%dma_wait3A_76 : memref<10240x128xf32, #tpu.memory_space<hbm>>) dst(%arg15 : memref<128x128xf32, #tpu.memory_space<vmem>>)
      "tpu.region"() ({
        %run_scoped3A = tpu.sem_alloc : memref<!tpu.dma_semaphore, #tpu.memory_space<semaphore_mem>>
        %dma_start3A_77 = arith.constant 0 : i32
        %dma_start3A_78 = arith.constant 0 : i32
        %dma_start3A_79 = tpu.memref_slice %arg17[%dma_start3A_77, %dma_start3A_78] : memref<10240x128xf32, #tpu.memory_space<vmem_shared>> -> memref<10240x128xf32, #tpu.memory_space<vmem_shared>>
        tpu.enqueue_indirect_dma source(%arg15 : memref<128x128xf32, #tpu.memory_space<vmem>>) target(%dma_start3A_79 : memref<10240x128xf32, #tpu.memory_space<vmem_shared>>) offsets(%arg13 : memref<128xi32, #tpu.memory_space<vmem>>) semaphore(%run_scoped3A : memref<!tpu.dma_semaphore, #tpu.memory_space<semaphore_mem>>) {add = true}
        %dma_wait3A_80 = arith.constant 0 : i32
        %dma_wait3A_81 = arith.constant 0 : i32
        %dma_wait3A_82 = tpu.memref_slice %arg17[%dma_wait3A_80, %dma_wait3A_81] : memref<10240x128xf32, #tpu.memory_space<vmem_shared>> -> memref<10240x128xf32, #tpu.memory_space<vmem_shared>>
        tpu.wait_indirect_dma semaphore(%run_scoped3A : memref<!tpu.dma_semaphore, #tpu.memory_space<semaphore_mem>>) src(%arg15 : memref<128x128xf32, #tpu.memory_space<vmem>>) dst(%dma_wait3A_82 : memref<10240x128xf32, #tpu.memory_space<vmem_shared>>)
        tpu.yield
      }) : () -> ()
      "tpu.region"() ({
        %run_scoped3A = tpu.sem_alloc : memref<!tpu.dma_semaphore, #tpu.memory_space<semaphore_mem>>
        %dma_start3A_77 = arith.constant 0 : i32
        %dma_start3A_78 = tpu.memref_slice %arg18[%dma_start3A_77] : memref<10240xf32, #tpu.memory_space<vmem_shared>> -> memref<10240xf32, #tpu.memory_space<vmem_shared>>
        tpu.enqueue_indirect_dma source(%arg16 : memref<128xf32, #tpu.memory_space<vmem>>) target(%dma_start3A_78 : memref<10240xf32, #tpu.memory_space<vmem_shared>>) offsets(%arg13 : memref<128xi32, #tpu.memory_space<vmem>>) semaphore(%run_scoped3A : memref<!tpu.dma_semaphore, #tpu.memory_space<semaphore_mem>>) {add = true}
        %dma_wait3A_79 = arith.constant 0 : i32
        %dma_wait3A_80 = tpu.memref_slice %arg18[%dma_wait3A_79] : memref<10240xf32, #tpu.memory_space<vmem_shared>> -> memref<10240xf32, #tpu.memory_space<vmem_shared>>
        tpu.wait_indirect_dma semaphore(%run_scoped3A : memref<!tpu.dma_semaphore, #tpu.memory_space<semaphore_mem>>) src(%arg16 : memref<128xf32, #tpu.memory_space<vmem>>) dst(%dma_wait3A_80 : memref<10240xf32, #tpu.memory_space<vmem_shared>>)
        tpu.yield
      }) : () -> ()
    }
    %while3A_44 = arith.constant 1 : i32
    scf.for %while3A_54 = %while3A_42 to %while3A_38 step %while3A_44  : i32 {
      %mul3A_55 = arith.constant 2 : i32
      %mul3A_56 = arith.muli %mul3A_55, %while3A_54 : i32
      %mul3A_57 = arith.constant 128 : i32
      %mul3A_58 = arith.muli %mul3A_56, %mul3A_57 : i32
      %add3A_59 = arith.addi %mul3A_17, %mul3A_58 : i32
      %mul3A_60 = arith.constant 2 : i32
      %mul3A_61 = arith.muli %mul3A_60, %while3A_54 : i32
      %add3A_62 = arith.constant 1 : i32
      %add3A_63 = arith.addi %mul3A_61, %add3A_62 : i32
      %mul3A_64 = arith.constant 128 : i32
      %mul3A_65 = arith.muli %add3A_63, %mul3A_64 : i32
      %add3A_66 = arith.addi %mul3A_17, %mul3A_65 : i32
      "tpu.region"() ({
        %run_scoped3A = tpu.sem_alloc : memref<!tpu.dma_semaphore, #tpu.memory_space<semaphore_mem>>
        %dma_start3A_77 = tpu.memref_slice %arg3[%add3A_59] : memref<323584xi32, #tpu.memory_space<hbm>> -> memref<128xi32, #tpu.memory_space<hbm>>
        %dma_start3A_78 = tpu.memref_slice %arg3[%add3A_59] : memref<323584xi32, #tpu.memory_space<hbm>> -> memref<128xi32, #tpu.memory_space<hbm>>
        tpu.enqueue_dma source(%dma_start3A_78 : memref<128xi32, #tpu.memory_space<hbm>>) target(%arg10 : memref<128xi32, #tpu.memory_space<vmem>>) target_semaphore(%run_scoped3A : memref<!tpu.dma_semaphore, #tpu.memory_space<semaphore_mem>>)
        %dma_wait3A_79 = tpu.memref_slice %arg3[%add3A_59] : memref<323584xi32, #tpu.memory_space<hbm>> -> memref<128xi32, #tpu.memory_space<hbm>>
        %dma_wait3A_80 = tpu.memref_slice %arg3[%add3A_59] : memref<323584xi32, #tpu.memory_space<hbm>> -> memref<128xi32, #tpu.memory_space<hbm>>
        tpu.wait_dma2 semaphore(%run_scoped3A : memref<!tpu.dma_semaphore, #tpu.memory_space<semaphore_mem>>) src(%dma_wait3A_80 : memref<128xi32, #tpu.memory_space<hbm>>) dst(%arg10 : memref<128xi32, #tpu.memory_space<vmem>>)
        tpu.yield
      }) : () -> ()
      "tpu.region"() ({
        %run_scoped3A = tpu.sem_alloc : memref<!tpu.dma_semaphore, #tpu.memory_space<semaphore_mem>>
        %dma_start3A_77 = tpu.memref_slice %arg4[%add3A_59] : memref<323584xi32, #tpu.memory_space<hbm>> -> memref<128xi32, #tpu.memory_space<hbm>>
        %dma_start3A_78 = tpu.memref_slice %arg4[%add3A_59] : memref<323584xi32, #tpu.memory_space<hbm>> -> memref<128xi32, #tpu.memory_space<hbm>>
        tpu.enqueue_dma source(%dma_start3A_78 : memref<128xi32, #tpu.memory_space<hbm>>) target(%arg11 : memref<128xi32, #tpu.memory_space<vmem>>) target_semaphore(%run_scoped3A : memref<!tpu.dma_semaphore, #tpu.memory_space<semaphore_mem>>)
        %dma_wait3A_79 = tpu.memref_slice %arg4[%add3A_59] : memref<323584xi32, #tpu.memory_space<hbm>> -> memref<128xi32, #tpu.memory_space<hbm>>
        %dma_wait3A_80 = tpu.memref_slice %arg4[%add3A_59] : memref<323584xi32, #tpu.memory_space<hbm>> -> memref<128xi32, #tpu.memory_space<hbm>>
        tpu.wait_dma2 semaphore(%run_scoped3A : memref<!tpu.dma_semaphore, #tpu.memory_space<semaphore_mem>>) src(%dma_wait3A_80 : memref<128xi32, #tpu.memory_space<hbm>>) dst(%arg11 : memref<128xi32, #tpu.memory_space<vmem>>)
        tpu.yield
      }) : () -> ()
      %dma_start3A = arith.constant 0 : i32
      %dma_start3A_67 = arith.constant 0 : i32
      %dma_start3A_68 = tpu.memref_slice %arg2[%dma_start3A, %dma_start3A_67] : memref<10240x128xf32, #tpu.memory_space<hbm>> -> memref<10240x128xf32, #tpu.memory_space<hbm>>
      tpu.enqueue_indirect_dma source(%dma_start3A_68 : memref<10240x128xf32, #tpu.memory_space<hbm>>) target(%arg14 : memref<128x128xf32, #tpu.memory_space<vmem>>) offsets(%arg10 : memref<128xi32, #tpu.memory_space<vmem>>) semaphore(%arg19 : memref<!tpu.dma_semaphore, #tpu.memory_space<semaphore_mem>>)
      "tpu.region"() ({
        %run_scoped3A = tpu.sem_alloc : memref<!tpu.dma_semaphore, #tpu.memory_space<semaphore_mem>>
        %dma_start3A_77 = tpu.memref_slice %arg3[%add3A_66] : memref<323584xi32, #tpu.memory_space<hbm>> -> memref<128xi32, #tpu.memory_space<hbm>>
        %dma_start3A_78 = tpu.memref_slice %arg3[%add3A_66] : memref<323584xi32, #tpu.memory_space<hbm>> -> memref<128xi32, #tpu.memory_space<hbm>>
        tpu.enqueue_dma source(%dma_start3A_78 : memref<128xi32, #tpu.memory_space<hbm>>) target(%arg12 : memref<128xi32, #tpu.memory_space<vmem>>) target_semaphore(%run_scoped3A : memref<!tpu.dma_semaphore, #tpu.memory_space<semaphore_mem>>)
        %dma_wait3A_79 = tpu.memref_slice %arg3[%add3A_66] : memref<323584xi32, #tpu.memory_space<hbm>> -> memref<128xi32, #tpu.memory_space<hbm>>
        %dma_wait3A_80 = tpu.memref_slice %arg3[%add3A_66] : memref<323584xi32, #tpu.memory_space<hbm>> -> memref<128xi32, #tpu.memory_space<hbm>>
        tpu.wait_dma2 semaphore(%run_scoped3A : memref<!tpu.dma_semaphore, #tpu.memory_space<semaphore_mem>>) src(%dma_wait3A_80 : memref<128xi32, #tpu.memory_space<hbm>>) dst(%arg12 : memref<128xi32, #tpu.memory_space<vmem>>)
        tpu.yield
      }) : () -> ()
      "tpu.region"() ({
        %run_scoped3A = tpu.sem_alloc : memref<!tpu.dma_semaphore, #tpu.memory_space<semaphore_mem>>
        %dma_start3A_77 = tpu.memref_slice %arg4[%add3A_66] : memref<323584xi32, #tpu.memory_space<hbm>> -> memref<128xi32, #tpu.memory_space<hbm>>
        %dma_start3A_78 = tpu.memref_slice %arg4[%add3A_66] : memref<323584xi32, #tpu.memory_space<hbm>> -> memref<128xi32, #tpu.memory_space<hbm>>
        tpu.enqueue_dma source(%dma_start3A_78 : memref<128xi32, #tpu.memory_space<hbm>>) target(%arg13 : memref<128xi32, #tpu.memory_space<vmem>>) target_semaphore(%run_scoped3A : memref<!tpu.dma_semaphore, #tpu.memory_space<semaphore_mem>>)
        %dma_wait3A_79 = tpu.memref_slice %arg4[%add3A_66] : memref<323584xi32, #tpu.memory_space<hbm>> -> memref<128xi32, #tpu.memory_space<hbm>>
        %dma_wait3A_80 = tpu.memref_slice %arg4[%add3A_66] : memref<323584xi32, #tpu.memory_space<hbm>> -> memref<128xi32, #tpu.memory_space<hbm>>
        tpu.wait_dma2 semaphore(%run_scoped3A : memref<!tpu.dma_semaphore, #tpu.memory_space<semaphore_mem>>) src(%dma_wait3A_80 : memref<128xi32, #tpu.memory_space<hbm>>) dst(%arg13 : memref<128xi32, #tpu.memory_space<vmem>>)
        tpu.yield
      }) : () -> ()
      %dma_start3A_69 = arith.constant 0 : i32
      %dma_start3A_70 = arith.constant 0 : i32
      %dma_start3A_71 = tpu.memref_slice %arg2[%dma_start3A_69, %dma_start3A_70] : memref<10240x128xf32, #tpu.memory_space<hbm>> -> memref<10240x128xf32, #tpu.memory_space<hbm>>
      tpu.enqueue_indirect_dma source(%dma_start3A_71 : memref<10240x128xf32, #tpu.memory_space<hbm>>) target(%arg15 : memref<128x128xf32, #tpu.memory_space<vmem>>) offsets(%arg12 : memref<128xi32, #tpu.memory_space<vmem>>) semaphore(%arg20 : memref<!tpu.dma_semaphore, #tpu.memory_space<semaphore_mem>>)
      %dma_wait3A = arith.constant 0 : i32
      %dma_wait3A_72 = arith.constant 0 : i32
      %dma_wait3A_73 = tpu.memref_slice %arg2[%dma_wait3A, %dma_wait3A_72] : memref<10240x128xf32, #tpu.memory_space<hbm>> -> memref<10240x128xf32, #tpu.memory_space<hbm>>
      tpu.wait_indirect_dma semaphore(%arg19 : memref<!tpu.dma_semaphore, #tpu.memory_space<semaphore_mem>>) src(%dma_wait3A_73 : memref<10240x128xf32, #tpu.memory_space<hbm>>) dst(%arg14 : memref<128x128xf32, #tpu.memory_space<vmem>>)
      "tpu.region"() ({
        %run_scoped3A = tpu.sem_alloc : memref<!tpu.dma_semaphore, #tpu.memory_space<semaphore_mem>>
        %dma_start3A_77 = arith.constant 0 : i32
        %dma_start3A_78 = arith.constant 0 : i32
        %dma_start3A_79 = tpu.memref_slice %arg17[%dma_start3A_77, %dma_start3A_78] : memref<10240x128xf32, #tpu.memory_space<vmem_shared>> -> memref<10240x128xf32, #tpu.memory_space<vmem_shared>>
        tpu.enqueue_indirect_dma source(%arg14 : memref<128x128xf32, #tpu.memory_space<vmem>>) target(%dma_start3A_79 : memref<10240x128xf32, #tpu.memory_space<vmem_shared>>) offsets(%arg11 : memref<128xi32, #tpu.memory_space<vmem>>) semaphore(%run_scoped3A : memref<!tpu.dma_semaphore, #tpu.memory_space<semaphore_mem>>) {add = true}
        %dma_wait3A_80 = arith.constant 0 : i32
        %dma_wait3A_81 = arith.constant 0 : i32
        %dma_wait3A_82 = tpu.memref_slice %arg17[%dma_wait3A_80, %dma_wait3A_81] : memref<10240x128xf32, #tpu.memory_space<vmem_shared>> -> memref<10240x128xf32, #tpu.memory_space<vmem_shared>>
        tpu.wait_indirect_dma semaphore(%run_scoped3A : memref<!tpu.dma_semaphore, #tpu.memory_space<semaphore_mem>>) src(%arg14 : memref<128x128xf32, #tpu.memory_space<vmem>>) dst(%dma_wait3A_82 : memref<10240x128xf32, #tpu.memory_space<vmem_shared>>)
        tpu.yield
      }) : () -> ()
      "tpu.region"() ({
        %run_scoped3A = tpu.sem_alloc : memref<!tpu.dma_semaphore, #tpu.memory_space<semaphore_mem>>
        %dma_start3A_77 = arith.constant 0 : i32
        %dma_start3A_78 = tpu.memref_slice %arg18[%dma_start3A_77] : memref<10240xf32, #tpu.memory_space<vmem_shared>> -> memref<10240xf32, #tpu.memory_space<vmem_shared>>
        tpu.enqueue_indirect_dma source(%arg16 : memref<128xf32, #tpu.memory_space<vmem>>) target(%dma_start3A_78 : memref<10240xf32, #tpu.memory_space<vmem_shared>>) offsets(%arg11 : memref<128xi32, #tpu.memory_space<vmem>>) semaphore(%run_scoped3A : memref<!tpu.dma_semaphore, #tpu.memory_space<semaphore_mem>>) {add = true}
        %dma_wait3A_79 = arith.constant 0 : i32
        %dma_wait3A_80 = tpu.memref_slice %arg18[%dma_wait3A_79] : memref<10240xf32, #tpu.memory_space<vmem_shared>> -> memref<10240xf32, #tpu.memory_space<vmem_shared>>
        tpu.wait_indirect_dma semaphore(%run_scoped3A : memref<!tpu.dma_semaphore, #tpu.memory_space<semaphore_mem>>) src(%arg16 : memref<128xf32, #tpu.memory_space<vmem>>) dst(%dma_wait3A_80 : memref<10240xf32, #tpu.memory_space<vmem_shared>>)
        tpu.yield
      }) : () -> ()
      %dma_wait3A_74 = arith.constant 0 : i32
      %dma_wait3A_75 = arith.constant 0 : i32
      %dma_wait3A_76 = tpu.memref_slice %arg2[%dma_wait3A_74, %dma_wait3A_75] : memref<10240x128xf32, #tpu.memory_space<hbm>> -> memref<10240x128xf32, #tpu.memory_space<hbm>>
      tpu.wait_indirect_dma semaphore(%arg20 : memref<!tpu.dma_semaphore, #tpu.memory_space<semaphore_mem>>) src(%dma_wait3A_76 : memref<10240x128xf32, #tpu.memory_space<hbm>>) dst(%arg15 : memref<128x128xf32, #tpu.memory_space<vmem>>)
      "tpu.region"() ({
        %run_scoped3A = tpu.sem_alloc : memref<!tpu.dma_semaphore, #tpu.memory_space<semaphore_mem>>
        %dma_start3A_77 = arith.constant 0 : i32
        %dma_start3A_78 = arith.constant 0 : i32
        %dma_start3A_79 = tpu.memref_slice %arg17[%dma_start3A_77, %dma_start3A_78] : memref<10240x128xf32, #tpu.memory_space<vmem_shared>> -> memref<10240x128xf32, #tpu.memory_space<vmem_shared>>
        tpu.enqueue_indirect_dma source(%arg15 : memref<128x128xf32, #tpu.memory_space<vmem>>) target(%dma_start3A_79 : memref<10240x128xf32, #tpu.memory_space<vmem_shared>>) offsets(%arg13 : memref<128xi32, #tpu.memory_space<vmem>>) semaphore(%run_scoped3A : memref<!tpu.dma_semaphore, #tpu.memory_space<semaphore_mem>>) {add = true}
        %dma_wait3A_80 = arith.constant 0 : i32
        %dma_wait3A_81 = arith.constant 0 : i32
        %dma_wait3A_82 = tpu.memref_slice %arg17[%dma_wait3A_80, %dma_wait3A_81] : memref<10240x128xf32, #tpu.memory_space<vmem_shared>> -> memref<10240x128xf32, #tpu.memory_space<vmem_shared>>
        tpu.wait_indirect_dma semaphore(%run_scoped3A : memref<!tpu.dma_semaphore, #tpu.memory_space<semaphore_mem>>) src(%arg15 : memref<128x128xf32, #tpu.memory_space<vmem>>) dst(%dma_wait3A_82 : memref<10240x128xf32, #tpu.memory_space<vmem_shared>>)
        tpu.yield
      }) : () -> ()
      "tpu.region"() ({
        %run_scoped3A = tpu.sem_alloc : memref<!tpu.dma_semaphore, #tpu.memory_space<semaphore_mem>>
        %dma_start3A_77 = arith.constant 0 : i32
        %dma_start3A_78 = tpu.memref_slice %arg18[%dma_start3A_77] : memref<10240xf32, #tpu.memory_space<vmem_shared>> -> memref<10240xf32, #tpu.memory_space<vmem_shared>>
        tpu.enqueue_indirect_dma source(%arg16 : memref<128xf32, #tpu.memory_space<vmem>>) target(%dma_start3A_78 : memref<10240xf32, #tpu.memory_space<vmem_shared>>) offsets(%arg13 : memref<128xi32, #tpu.memory_space<vmem>>) semaphore(%run_scoped3A : memref<!tpu.dma_semaphore, #tpu.memory_space<semaphore_mem>>) {add = true}
        %dma_wait3A_79 = arith.constant 0 : i32
        %dma_wait3A_80 = tpu.memref_slice %arg18[%dma_wait3A_79] : memref<10240xf32, #tpu.memory_space<vmem_shared>> -> memref<10240xf32, #tpu.memory_space<vmem_shared>>
        tpu.wait_indirect_dma semaphore(%run_scoped3A : memref<!tpu.dma_semaphore, #tpu.memory_space<semaphore_mem>>) src(%arg16 : memref<128xf32, #tpu.memory_space<vmem>>) dst(%dma_wait3A_80 : memref<10240xf32, #tpu.memory_space<vmem_shared>>)
        tpu.yield
      }) : () -> ()
    }
    %barrier3A_45 = arith.constant 0 : index
    tpu.barrier barrier_id(%barrier3A_45)
    %mul3A_46 = arith.constant 640 : i32
    %mul3A_47 = arith.muli %arg1, %mul3A_46 : i32
    %mul3A_48 = arith.constant 640 : i32
    %mul3A_49 = arith.muli %arg1, %mul3A_48 : i32
    "tpu.region"() ({
      %run_scoped3A = tpu.sem_alloc : memref<!tpu.dma_semaphore, #tpu.memory_space<semaphore_mem>>
      %dma_start3A = arith.constant 0 : i32
      %dma_start3A_54 = tpu.memref_slice %arg8[%arg0, %mul3A_49, %dma_start3A] : memref<2x10240x128xf32, #tpu.memory_space<hbm>> -> memref<1x640x128xf32, #tpu.memory_space<hbm>>
      %dma_start3A_55 = tpu.memref_squeeze %dma_start3A_54 : memref<1x640x128xf32, #tpu.memory_space<hbm>> -> memref<640x128xf32, #tpu.memory_space<hbm>>
      %dma_start3A_56 = arith.constant 0 : i32
      %dma_start3A_57 = tpu.memref_slice %arg17[%mul3A_47, %dma_start3A_56] : memref<10240x128xf32, #tpu.memory_space<vmem_shared>> -> memref<640x128xf32, #tpu.memory_space<vmem_shared>>
      tpu.enqueue_dma source(%dma_start3A_57 : memref<640x128xf32, #tpu.memory_space<vmem_shared>>) target(%dma_start3A_55 : memref<640x128xf32, #tpu.memory_space<hbm>>) target_semaphore(%run_scoped3A : memref<!tpu.dma_semaphore, #tpu.memory_space<semaphore_mem>>)
      %dma_wait3A = arith.constant 0 : i32
      %dma_wait3A_58 = tpu.memref_slice %arg8[%arg0, %mul3A_49, %dma_wait3A] : memref<2x10240x128xf32, #tpu.memory_space<hbm>> -> memref<1x640x128xf32, #tpu.memory_space<hbm>>
      %dma_wait3A_59 = tpu.memref_squeeze %dma_wait3A_58 : memref<1x640x128xf32, #tpu.memory_space<hbm>> -> memref<640x128xf32, #tpu.memory_space<hbm>>
      %dma_wait3A_60 = arith.constant 0 : i32
      %dma_wait3A_61 = tpu.memref_slice %arg17[%mul3A_47, %dma_wait3A_60] : memref<10240x128xf32, #tpu.memory_space<vmem_shared>> -> memref<640x128xf32, #tpu.memory_space<vmem_shared>>
      tpu.wait_dma2 semaphore(%run_scoped3A : memref<!tpu.dma_semaphore, #tpu.memory_space<semaphore_mem>>) src(%dma_wait3A_61 : memref<640x128xf32, #tpu.memory_space<vmem_shared>>) dst(%dma_wait3A_59 : memref<640x128xf32, #tpu.memory_space<hbm>>)
      tpu.yield
    }) : () -> ()
    %mul3A_50 = arith.constant 640 : i32
    %mul3A_51 = arith.muli %arg1, %mul3A_50 : i32
    %mul3A_52 = arith.constant 640 : i32
    %mul3A_53 = arith.muli %arg1, %mul3A_52 : i32
    "tpu.region"() ({
      %run_scoped3A = tpu.sem_alloc : memref<!tpu.dma_semaphore, #tpu.memory_space<semaphore_mem>>
      %dma_start3A = tpu.memref_slice %arg9[%arg0, %mul3A_53] : memref<2x10240xf32, #tpu.memory_space<hbm>> -> memref<1x640xf32, #tpu.memory_space<hbm>>
      %dma_start3A_54 = tpu.memref_squeeze %dma_start3A : memref<1x640xf32, #tpu.memory_space<hbm>> -> memref<640xf32, #tpu.memory_space<hbm>>
      %dma_start3A_55 = tpu.memref_slice %arg18[%mul3A_51] : memref<10240xf32, #tpu.memory_space<vmem_shared>> -> memref<640xf32, #tpu.memory_space<vmem_shared>>
      tpu.enqueue_dma source(%dma_start3A_55 : memref<640xf32, #tpu.memory_space<vmem_shared>>) target(%dma_start3A_54 : memref<640xf32, #tpu.memory_space<hbm>>) target_semaphore(%run_scoped3A : memref<!tpu.dma_semaphore, #tpu.memory_space<semaphore_mem>>)
      %dma_wait3A = tpu.memref_slice %arg9[%arg0, %mul3A_53] : memref<2x10240xf32, #tpu.memory_space<hbm>> -> memref<1x640xf32, #tpu.memory_space<hbm>>
      %dma_wait3A_56 = tpu.memref_squeeze %dma_wait3A : memref<1x640xf32, #tpu.memory_space<hbm>> -> memref<640xf32, #tpu.memory_space<hbm>>
      %dma_wait3A_57 = tpu.memref_slice %arg18[%mul3A_51] : memref<10240xf32, #tpu.memory_space<vmem_shared>> -> memref<640xf32, #tpu.memory_space<vmem_shared>>
      tpu.wait_dma2 semaphore(%run_scoped3A : memref<!tpu.dma_semaphore, #tpu.memory_space<semaphore_mem>>) src(%dma_wait3A_57 : memref<640xf32, #tpu.memory_space<vmem_shared>>) dst(%dma_wait3A_56 : memref<640xf32, #tpu.memory_space<hbm>>)
      tpu.yield
    }) : () -> ()
    return
  }
}

#map = affine_map<(d0, d1) -> (0, 0)>
#map1 = affine_map<(d0, d1) -> (0)>
#map2 = affine_map<(d0, d1) -> (0, 0, 0)>
module attributes {stable_mosaic.version = 14 : i64} {
  func.func @body(%arg0: i32, %arg1: i32, %arg2: memref<10240x128xf32, #tpu.memory_space<hbm>>, %arg3: memref<323584xi32, #tpu.memory_space<hbm>>, %arg4: memref<323584xi32, #tpu.memory_space<hbm>>, %arg5: memref<640x128xf32, #tpu.memory_space<hbm>>, %arg6: memref<640xf32, #tpu.memory_space<hbm>>, %arg7: memref<128xf32, #tpu.memory_space<hbm>>, %arg8: memref<2x10240x128xf32, #tpu.memory_space<hbm>>, %arg9: memref<128xi32, #tpu.memory_space<vmem>>, %arg10: memref<128xi32, #tpu.memory_space<vmem>>, %arg11: memref<128xi32, #tpu.memory_space<vmem>>, %arg12: memref<128xi32, #tpu.memory_space<vmem>>, %arg13: memref<128x128xf32, #tpu.memory_space<vmem>>, %arg14: memref<128x128xf32, #tpu.memory_space<vmem>>, %arg15: memref<128xf32, #tpu.memory_space<vmem>>, %arg16: memref<10240x128xf32, #tpu.memory_space<vmem_shared>>, %arg17: memref<!tpu.dma_semaphore, #tpu.memory_space<semaphore_mem>>, %arg18: memref<!tpu.dma_semaphore, #tpu.memory_space<semaphore_mem>>) attributes {dimension_semantics = [#tpu.dimension_semantics<core_parallel>, #tpu.dimension_semantics<subcore_parallel>], iteration_bounds = array<i64: 2, 16>, scalar_prefetch = 0 : i64, scratch_operands = 10 : i64, tpu.core_type = #tpu.core_type<sc_vector_subcore>, window_params = [{transform_indices = #map}, {transform_indices = #map1}, {transform_indices = #map1}, {transform_indices = #map}, {transform_indices = #map1}, {transform_indices = #map1}, {transform_indices = #map2}]} {
    %mul3A = arith.constant 16 : i32
    %mul3A_0 = arith.muli %arg0, %mul3A : i32
    %add3A = arith.addi %mul3A_0, %arg1 : i32
    "tpu.region"() ({
      %run_scoped3A = tpu.sem_alloc : memref<!tpu.dma_semaphore, #tpu.memory_space<semaphore_mem>>
      tpu.enqueue_dma source(%arg7 : memref<128xf32, #tpu.memory_space<hbm>>) target(%arg15 : memref<128xf32, #tpu.memory_space<vmem>>) target_semaphore(%run_scoped3A : memref<!tpu.dma_semaphore, #tpu.memory_space<semaphore_mem>>)
      tpu.wait_dma2 semaphore(%run_scoped3A : memref<!tpu.dma_semaphore, #tpu.memory_space<semaphore_mem>>) src(%arg7 : memref<128xf32, #tpu.memory_space<hbm>>) dst(%arg15 : memref<128xf32, #tpu.memory_space<vmem>>)
      tpu.yield
    }) : () -> ()
    %mul3A_1 = arith.constant 640 : i32
    %mul3A_2 = arith.muli %arg1, %mul3A_1 : i32
    "tpu.region"() ({
      %run_scoped3A = tpu.sem_alloc : memref<!tpu.dma_semaphore, #tpu.memory_space<semaphore_mem>>
      %dma_start3A = arith.constant 0 : i32
      %dma_start3A_48 = tpu.memref_slice %arg16[%mul3A_2, %dma_start3A] : memref<10240x128xf32, #tpu.memory_space<vmem_shared>> -> memref<640x128xf32, #tpu.memory_space<vmem_shared>>
      tpu.enqueue_dma source(%arg5 : memref<640x128xf32, #tpu.memory_space<hbm>>) target(%dma_start3A_48 : memref<640x128xf32, #tpu.memory_space<vmem_shared>>) target_semaphore(%run_scoped3A : memref<!tpu.dma_semaphore, #tpu.memory_space<semaphore_mem>>)
      %dma_wait3A = arith.constant 0 : i32
      %dma_wait3A_49 = tpu.memref_slice %arg16[%mul3A_2, %dma_wait3A] : memref<10240x128xf32, #tpu.memory_space<vmem_shared>> -> memref<640x128xf32, #tpu.memory_space<vmem_shared>>
      tpu.wait_dma2 semaphore(%run_scoped3A : memref<!tpu.dma_semaphore, #tpu.memory_space<semaphore_mem>>) src(%arg5 : memref<640x128xf32, #tpu.memory_space<hbm>>) dst(%dma_wait3A_49 : memref<640x128xf32, #tpu.memory_space<vmem_shared>>)
      tpu.yield
    }) : () -> ()
    %barrier3A = arith.constant 0 : index
    tpu.barrier barrier_id(%barrier3A)
    %eq3A = arith.constant 0 : i32
    %eq3A_3 = arith.cmpi eq, %arg0, %eq3A : i32
    %jit3A = arith.constant 98 : i32
    %jit3A_4 = arith.constant 60 : i32
    %select_n3A = arith.select %eq3A_3, %jit3A, %jit3A_4 : i32
    %eq3A_5 = arith.constant 0 : i32
    %eq3A_6 = arith.cmpi eq, %arg0, %eq3A_5 : i32
    %mul3A_7 = arith.constant 98 : i32
    %mul3A_8 = arith.muli %arg1, %mul3A_7 : i32
    %mul3A_9 = arith.constant 60 : i32
    %mul3A_10 = arith.muli %arg1, %mul3A_9 : i32
    %add3A_11 = arith.constant 1568 : i32
    %add3A_12 = arith.addi %add3A_11, %mul3A_10 : i32
    %select_n3A_13 = arith.select %eq3A_6, %mul3A_8, %add3A_12 : i32
    %mul3A_14 = arith.constant 128 : i32
    %mul3A_15 = arith.muli %select_n3A_13, %mul3A_14 : i32
    %jit3A_16 = arith.constant 2 : i32
    %div3A = arith.divsi %select_n3A, %jit3A_16 : i32
    %sign3A = arith.constant 0 : i32
    %sign3A_17 = arith.cmpi sgt, %select_n3A, %sign3A : i32
    %sign3A_18 = arith.extui %sign3A_17 : i1 to i32
    %sign3A_19 = arith.constant 0 : i32
    %sign3A_20 = arith.cmpi slt, %select_n3A, %sign3A_19 : i32
    %sign3A_21 = arith.extui %sign3A_20 : i1 to i32
    %sign3A_22 = arith.subi %sign3A_18, %sign3A_21 : i32
    %sign3A_23 = arith.constant 0 : i32
    %sign3A_24 = arith.cmpi sgt, %jit3A_16, %sign3A_23 : i32
    %sign3A_25 = arith.extui %sign3A_24 : i1 to i32
    %sign3A_26 = arith.constant 0 : i32
    %sign3A_27 = arith.cmpi slt, %jit3A_16, %sign3A_26 : i32
    %sign3A_28 = arith.extui %sign3A_27 : i1 to i32
    %sign3A_29 = arith.subi %sign3A_25, %sign3A_28 : i32
    %ne3A = arith.cmpi ne, %sign3A_22, %sign3A_29 : i32
    %rem3A = arith.remsi %select_n3A, %jit3A_16 : i32
    %ne3A_30 = arith.constant 0 : i32
    %ne3A_31 = arith.cmpi ne, %rem3A, %ne3A_30 : i32
    %and3A = arith.andi %ne3A, %ne3A_31 : i1
    %sub3A = arith.constant 1 : i32
    %sub3A_32 = arith.subi %div3A, %sub3A : i32
    %select_n3A_33 = arith.select %and3A, %sub3A_32, %div3A : i32
    %while3A = arith.constant 0 : i32
    %while3A_34 = arith.constant 0 : i32
    %while3A_35 = arith.subi %select_n3A_33, %while3A_34 : i32
    %while3A_36 = arith.addi %while3A_34, %while3A_35 : i32
    %while3A_37 = arith.constant 1 : i32
    %while3A_38 = arith.divsi %while3A_35, %while3A_37 : i32
    %while3A_39 = arith.muli %while3A_38, %while3A_37 : i32
    %while3A_40 = arith.addi %while3A_34, %while3A_39 : i32
    %while3A_41 = arith.constant 1 : i32
    scf.for %while3A_48 = %while3A_34 to %while3A_40 step %while3A_41  : i32 {
      %mul3A_49 = arith.constant 2 : i32
      %mul3A_50 = arith.muli %mul3A_49, %while3A_48 : i32
      %mul3A_51 = arith.constant 128 : i32
      %mul3A_52 = arith.muli %mul3A_50, %mul3A_51 : i32
      %add3A_53 = arith.addi %mul3A_15, %mul3A_52 : i32
      %mul3A_54 = arith.constant 2 : i32
      %mul3A_55 = arith.muli %mul3A_54, %while3A_48 : i32
      %add3A_56 = arith.constant 1 : i32
      %add3A_57 = arith.addi %mul3A_55, %add3A_56 : i32
      %mul3A_58 = arith.constant 128 : i32
      %mul3A_59 = arith.muli %add3A_57, %mul3A_58 : i32
      %add3A_60 = arith.addi %mul3A_15, %mul3A_59 : i32
      "tpu.region"() ({
        %run_scoped3A = tpu.sem_alloc : memref<!tpu.dma_semaphore, #tpu.memory_space<semaphore_mem>>
        %dma_start3A_71 = tpu.memref_slice %arg3[%add3A_53] : memref<323584xi32, #tpu.memory_space<hbm>> -> memref<128xi32, #tpu.memory_space<hbm>>
        %dma_start3A_72 = tpu.memref_slice %arg3[%add3A_53] : memref<323584xi32, #tpu.memory_space<hbm>> -> memref<128xi32, #tpu.memory_space<hbm>>
        tpu.enqueue_dma source(%dma_start3A_72 : memref<128xi32, #tpu.memory_space<hbm>>) target(%arg9 : memref<128xi32, #tpu.memory_space<vmem>>) target_semaphore(%run_scoped3A : memref<!tpu.dma_semaphore, #tpu.memory_space<semaphore_mem>>)
        %dma_wait3A_73 = tpu.memref_slice %arg3[%add3A_53] : memref<323584xi32, #tpu.memory_space<hbm>> -> memref<128xi32, #tpu.memory_space<hbm>>
        %dma_wait3A_74 = tpu.memref_slice %arg3[%add3A_53] : memref<323584xi32, #tpu.memory_space<hbm>> -> memref<128xi32, #tpu.memory_space<hbm>>
        tpu.wait_dma2 semaphore(%run_scoped3A : memref<!tpu.dma_semaphore, #tpu.memory_space<semaphore_mem>>) src(%dma_wait3A_74 : memref<128xi32, #tpu.memory_space<hbm>>) dst(%arg9 : memref<128xi32, #tpu.memory_space<vmem>>)
        tpu.yield
      }) : () -> ()
      "tpu.region"() ({
        %run_scoped3A = tpu.sem_alloc : memref<!tpu.dma_semaphore, #tpu.memory_space<semaphore_mem>>
        %dma_start3A_71 = tpu.memref_slice %arg4[%add3A_53] : memref<323584xi32, #tpu.memory_space<hbm>> -> memref<128xi32, #tpu.memory_space<hbm>>
        %dma_start3A_72 = tpu.memref_slice %arg4[%add3A_53] : memref<323584xi32, #tpu.memory_space<hbm>> -> memref<128xi32, #tpu.memory_space<hbm>>
        tpu.enqueue_dma source(%dma_start3A_72 : memref<128xi32, #tpu.memory_space<hbm>>) target(%arg10 : memref<128xi32, #tpu.memory_space<vmem>>) target_semaphore(%run_scoped3A : memref<!tpu.dma_semaphore, #tpu.memory_space<semaphore_mem>>)
        %dma_wait3A_73 = tpu.memref_slice %arg4[%add3A_53] : memref<323584xi32, #tpu.memory_space<hbm>> -> memref<128xi32, #tpu.memory_space<hbm>>
        %dma_wait3A_74 = tpu.memref_slice %arg4[%add3A_53] : memref<323584xi32, #tpu.memory_space<hbm>> -> memref<128xi32, #tpu.memory_space<hbm>>
        tpu.wait_dma2 semaphore(%run_scoped3A : memref<!tpu.dma_semaphore, #tpu.memory_space<semaphore_mem>>) src(%dma_wait3A_74 : memref<128xi32, #tpu.memory_space<hbm>>) dst(%arg10 : memref<128xi32, #tpu.memory_space<vmem>>)
        tpu.yield
      }) : () -> ()
      %dma_start3A = arith.constant 0 : i32
      %dma_start3A_61 = arith.constant 0 : i32
      %dma_start3A_62 = tpu.memref_slice %arg2[%dma_start3A, %dma_start3A_61] : memref<10240x128xf32, #tpu.memory_space<hbm>> -> memref<10240x128xf32, #tpu.memory_space<hbm>>
      tpu.enqueue_indirect_dma source(%dma_start3A_62 : memref<10240x128xf32, #tpu.memory_space<hbm>>) target(%arg13 : memref<128x128xf32, #tpu.memory_space<vmem>>) offsets(%arg9 : memref<128xi32, #tpu.memory_space<vmem>>) semaphore(%arg17 : memref<!tpu.dma_semaphore, #tpu.memory_space<semaphore_mem>>)
      "tpu.region"() ({
        %run_scoped3A = tpu.sem_alloc : memref<!tpu.dma_semaphore, #tpu.memory_space<semaphore_mem>>
        %dma_start3A_71 = tpu.memref_slice %arg3[%add3A_60] : memref<323584xi32, #tpu.memory_space<hbm>> -> memref<128xi32, #tpu.memory_space<hbm>>
        %dma_start3A_72 = tpu.memref_slice %arg3[%add3A_60] : memref<323584xi32, #tpu.memory_space<hbm>> -> memref<128xi32, #tpu.memory_space<hbm>>
        tpu.enqueue_dma source(%dma_start3A_72 : memref<128xi32, #tpu.memory_space<hbm>>) target(%arg11 : memref<128xi32, #tpu.memory_space<vmem>>) target_semaphore(%run_scoped3A : memref<!tpu.dma_semaphore, #tpu.memory_space<semaphore_mem>>)
        %dma_wait3A_73 = tpu.memref_slice %arg3[%add3A_60] : memref<323584xi32, #tpu.memory_space<hbm>> -> memref<128xi32, #tpu.memory_space<hbm>>
        %dma_wait3A_74 = tpu.memref_slice %arg3[%add3A_60] : memref<323584xi32, #tpu.memory_space<hbm>> -> memref<128xi32, #tpu.memory_space<hbm>>
        tpu.wait_dma2 semaphore(%run_scoped3A : memref<!tpu.dma_semaphore, #tpu.memory_space<semaphore_mem>>) src(%dma_wait3A_74 : memref<128xi32, #tpu.memory_space<hbm>>) dst(%arg11 : memref<128xi32, #tpu.memory_space<vmem>>)
        tpu.yield
      }) : () -> ()
      "tpu.region"() ({
        %run_scoped3A = tpu.sem_alloc : memref<!tpu.dma_semaphore, #tpu.memory_space<semaphore_mem>>
        %dma_start3A_71 = tpu.memref_slice %arg4[%add3A_60] : memref<323584xi32, #tpu.memory_space<hbm>> -> memref<128xi32, #tpu.memory_space<hbm>>
        %dma_start3A_72 = tpu.memref_slice %arg4[%add3A_60] : memref<323584xi32, #tpu.memory_space<hbm>> -> memref<128xi32, #tpu.memory_space<hbm>>
        tpu.enqueue_dma source(%dma_start3A_72 : memref<128xi32, #tpu.memory_space<hbm>>) target(%arg12 : memref<128xi32, #tpu.memory_space<vmem>>) target_semaphore(%run_scoped3A : memref<!tpu.dma_semaphore, #tpu.memory_space<semaphore_mem>>)
        %dma_wait3A_73 = tpu.memref_slice %arg4[%add3A_60] : memref<323584xi32, #tpu.memory_space<hbm>> -> memref<128xi32, #tpu.memory_space<hbm>>
        %dma_wait3A_74 = tpu.memref_slice %arg4[%add3A_60] : memref<323584xi32, #tpu.memory_space<hbm>> -> memref<128xi32, #tpu.memory_space<hbm>>
        tpu.wait_dma2 semaphore(%run_scoped3A : memref<!tpu.dma_semaphore, #tpu.memory_space<semaphore_mem>>) src(%dma_wait3A_74 : memref<128xi32, #tpu.memory_space<hbm>>) dst(%arg12 : memref<128xi32, #tpu.memory_space<vmem>>)
        tpu.yield
      }) : () -> ()
      %dma_start3A_63 = arith.constant 0 : i32
      %dma_start3A_64 = arith.constant 0 : i32
      %dma_start3A_65 = tpu.memref_slice %arg2[%dma_start3A_63, %dma_start3A_64] : memref<10240x128xf32, #tpu.memory_space<hbm>> -> memref<10240x128xf32, #tpu.memory_space<hbm>>
      tpu.enqueue_indirect_dma source(%dma_start3A_65 : memref<10240x128xf32, #tpu.memory_space<hbm>>) target(%arg14 : memref<128x128xf32, #tpu.memory_space<vmem>>) offsets(%arg11 : memref<128xi32, #tpu.memory_space<vmem>>) semaphore(%arg18 : memref<!tpu.dma_semaphore, #tpu.memory_space<semaphore_mem>>)
      %dma_wait3A = arith.constant 0 : i32
      %dma_wait3A_66 = arith.constant 0 : i32
      %dma_wait3A_67 = tpu.memref_slice %arg2[%dma_wait3A, %dma_wait3A_66] : memref<10240x128xf32, #tpu.memory_space<hbm>> -> memref<10240x128xf32, #tpu.memory_space<hbm>>
      tpu.wait_indirect_dma semaphore(%arg17 : memref<!tpu.dma_semaphore, #tpu.memory_space<semaphore_mem>>) src(%dma_wait3A_67 : memref<10240x128xf32, #tpu.memory_space<hbm>>) dst(%arg13 : memref<128x128xf32, #tpu.memory_space<vmem>>)
      "tpu.region"() ({
        %run_scoped3A = tpu.sem_alloc : memref<!tpu.dma_semaphore, #tpu.memory_space<semaphore_mem>>
        %dma_start3A_71 = arith.constant 0 : i32
        %dma_start3A_72 = arith.constant 0 : i32
        %dma_start3A_73 = tpu.memref_slice %arg16[%dma_start3A_71, %dma_start3A_72] : memref<10240x128xf32, #tpu.memory_space<vmem_shared>> -> memref<10240x128xf32, #tpu.memory_space<vmem_shared>>
        tpu.enqueue_indirect_dma source(%arg13 : memref<128x128xf32, #tpu.memory_space<vmem>>) target(%dma_start3A_73 : memref<10240x128xf32, #tpu.memory_space<vmem_shared>>) offsets(%arg10 : memref<128xi32, #tpu.memory_space<vmem>>) semaphore(%run_scoped3A : memref<!tpu.dma_semaphore, #tpu.memory_space<semaphore_mem>>) {add = true}
        %dma_wait3A_74 = arith.constant 0 : i32
        %dma_wait3A_75 = arith.constant 0 : i32
        %dma_wait3A_76 = tpu.memref_slice %arg16[%dma_wait3A_74, %dma_wait3A_75] : memref<10240x128xf32, #tpu.memory_space<vmem_shared>> -> memref<10240x128xf32, #tpu.memory_space<vmem_shared>>
        tpu.wait_indirect_dma semaphore(%run_scoped3A : memref<!tpu.dma_semaphore, #tpu.memory_space<semaphore_mem>>) src(%arg13 : memref<128x128xf32, #tpu.memory_space<vmem>>) dst(%dma_wait3A_76 : memref<10240x128xf32, #tpu.memory_space<vmem_shared>>)
        tpu.yield
      }) : () -> ()
      %dma_wait3A_68 = arith.constant 0 : i32
      %dma_wait3A_69 = arith.constant 0 : i32
      %dma_wait3A_70 = tpu.memref_slice %arg2[%dma_wait3A_68, %dma_wait3A_69] : memref<10240x128xf32, #tpu.memory_space<hbm>> -> memref<10240x128xf32, #tpu.memory_space<hbm>>
      tpu.wait_indirect_dma semaphore(%arg18 : memref<!tpu.dma_semaphore, #tpu.memory_space<semaphore_mem>>) src(%dma_wait3A_70 : memref<10240x128xf32, #tpu.memory_space<hbm>>) dst(%arg14 : memref<128x128xf32, #tpu.memory_space<vmem>>)
      "tpu.region"() ({
        %run_scoped3A = tpu.sem_alloc : memref<!tpu.dma_semaphore, #tpu.memory_space<semaphore_mem>>
        %dma_start3A_71 = arith.constant 0 : i32
        %dma_start3A_72 = arith.constant 0 : i32
        %dma_start3A_73 = tpu.memref_slice %arg16[%dma_start3A_71, %dma_start3A_72] : memref<10240x128xf32, #tpu.memory_space<vmem_shared>> -> memref<10240x128xf32, #tpu.memory_space<vmem_shared>>
        tpu.enqueue_indirect_dma source(%arg14 : memref<128x128xf32, #tpu.memory_space<vmem>>) target(%dma_start3A_73 : memref<10240x128xf32, #tpu.memory_space<vmem_shared>>) offsets(%arg12 : memref<128xi32, #tpu.memory_space<vmem>>) semaphore(%run_scoped3A : memref<!tpu.dma_semaphore, #tpu.memory_space<semaphore_mem>>) {add = true}
        %dma_wait3A_74 = arith.constant 0 : i32
        %dma_wait3A_75 = arith.constant 0 : i32
        %dma_wait3A_76 = tpu.memref_slice %arg16[%dma_wait3A_74, %dma_wait3A_75] : memref<10240x128xf32, #tpu.memory_space<vmem_shared>> -> memref<10240x128xf32, #tpu.memory_space<vmem_shared>>
        tpu.wait_indirect_dma semaphore(%run_scoped3A : memref<!tpu.dma_semaphore, #tpu.memory_space<semaphore_mem>>) src(%arg14 : memref<128x128xf32, #tpu.memory_space<vmem>>) dst(%dma_wait3A_76 : memref<10240x128xf32, #tpu.memory_space<vmem_shared>>)
        tpu.yield
      }) : () -> ()
    }
    %while3A_42 = arith.constant 1 : i32
    scf.for %while3A_48 = %while3A_40 to %while3A_36 step %while3A_42  : i32 {
      %mul3A_49 = arith.constant 2 : i32
      %mul3A_50 = arith.muli %mul3A_49, %while3A_48 : i32
      %mul3A_51 = arith.constant 128 : i32
      %mul3A_52 = arith.muli %mul3A_50, %mul3A_51 : i32
      %add3A_53 = arith.addi %mul3A_15, %mul3A_52 : i32
      %mul3A_54 = arith.constant 2 : i32
      %mul3A_55 = arith.muli %mul3A_54, %while3A_48 : i32
      %add3A_56 = arith.constant 1 : i32
      %add3A_57 = arith.addi %mul3A_55, %add3A_56 : i32
      %mul3A_58 = arith.constant 128 : i32
      %mul3A_59 = arith.muli %add3A_57, %mul3A_58 : i32
      %add3A_60 = arith.addi %mul3A_15, %mul3A_59 : i32
      "tpu.region"() ({
        %run_scoped3A = tpu.sem_alloc : memref<!tpu.dma_semaphore, #tpu.memory_space<semaphore_mem>>
        %dma_start3A_71 = tpu.memref_slice %arg3[%add3A_53] : memref<323584xi32, #tpu.memory_space<hbm>> -> memref<128xi32, #tpu.memory_space<hbm>>
        %dma_start3A_72 = tpu.memref_slice %arg3[%add3A_53] : memref<323584xi32, #tpu.memory_space<hbm>> -> memref<128xi32, #tpu.memory_space<hbm>>
        tpu.enqueue_dma source(%dma_start3A_72 : memref<128xi32, #tpu.memory_space<hbm>>) target(%arg9 : memref<128xi32, #tpu.memory_space<vmem>>) target_semaphore(%run_scoped3A : memref<!tpu.dma_semaphore, #tpu.memory_space<semaphore_mem>>)
        %dma_wait3A_73 = tpu.memref_slice %arg3[%add3A_53] : memref<323584xi32, #tpu.memory_space<hbm>> -> memref<128xi32, #tpu.memory_space<hbm>>
        %dma_wait3A_74 = tpu.memref_slice %arg3[%add3A_53] : memref<323584xi32, #tpu.memory_space<hbm>> -> memref<128xi32, #tpu.memory_space<hbm>>
        tpu.wait_dma2 semaphore(%run_scoped3A : memref<!tpu.dma_semaphore, #tpu.memory_space<semaphore_mem>>) src(%dma_wait3A_74 : memref<128xi32, #tpu.memory_space<hbm>>) dst(%arg9 : memref<128xi32, #tpu.memory_space<vmem>>)
        tpu.yield
      }) : () -> ()
      "tpu.region"() ({
        %run_scoped3A = tpu.sem_alloc : memref<!tpu.dma_semaphore, #tpu.memory_space<semaphore_mem>>
        %dma_start3A_71 = tpu.memref_slice %arg4[%add3A_53] : memref<323584xi32, #tpu.memory_space<hbm>> -> memref<128xi32, #tpu.memory_space<hbm>>
        %dma_start3A_72 = tpu.memref_slice %arg4[%add3A_53] : memref<323584xi32, #tpu.memory_space<hbm>> -> memref<128xi32, #tpu.memory_space<hbm>>
        tpu.enqueue_dma source(%dma_start3A_72 : memref<128xi32, #tpu.memory_space<hbm>>) target(%arg10 : memref<128xi32, #tpu.memory_space<vmem>>) target_semaphore(%run_scoped3A : memref<!tpu.dma_semaphore, #tpu.memory_space<semaphore_mem>>)
        %dma_wait3A_73 = tpu.memref_slice %arg4[%add3A_53] : memref<323584xi32, #tpu.memory_space<hbm>> -> memref<128xi32, #tpu.memory_space<hbm>>
        %dma_wait3A_74 = tpu.memref_slice %arg4[%add3A_53] : memref<323584xi32, #tpu.memory_space<hbm>> -> memref<128xi32, #tpu.memory_space<hbm>>
        tpu.wait_dma2 semaphore(%run_scoped3A : memref<!tpu.dma_semaphore, #tpu.memory_space<semaphore_mem>>) src(%dma_wait3A_74 : memref<128xi32, #tpu.memory_space<hbm>>) dst(%arg10 : memref<128xi32, #tpu.memory_space<vmem>>)
        tpu.yield
      }) : () -> ()
      %dma_start3A = arith.constant 0 : i32
      %dma_start3A_61 = arith.constant 0 : i32
      %dma_start3A_62 = tpu.memref_slice %arg2[%dma_start3A, %dma_start3A_61] : memref<10240x128xf32, #tpu.memory_space<hbm>> -> memref<10240x128xf32, #tpu.memory_space<hbm>>
      tpu.enqueue_indirect_dma source(%dma_start3A_62 : memref<10240x128xf32, #tpu.memory_space<hbm>>) target(%arg13 : memref<128x128xf32, #tpu.memory_space<vmem>>) offsets(%arg9 : memref<128xi32, #tpu.memory_space<vmem>>) semaphore(%arg17 : memref<!tpu.dma_semaphore, #tpu.memory_space<semaphore_mem>>)
      "tpu.region"() ({
        %run_scoped3A = tpu.sem_alloc : memref<!tpu.dma_semaphore, #tpu.memory_space<semaphore_mem>>
        %dma_start3A_71 = tpu.memref_slice %arg3[%add3A_60] : memref<323584xi32, #tpu.memory_space<hbm>> -> memref<128xi32, #tpu.memory_space<hbm>>
        %dma_start3A_72 = tpu.memref_slice %arg3[%add3A_60] : memref<323584xi32, #tpu.memory_space<hbm>> -> memref<128xi32, #tpu.memory_space<hbm>>
        tpu.enqueue_dma source(%dma_start3A_72 : memref<128xi32, #tpu.memory_space<hbm>>) target(%arg11 : memref<128xi32, #tpu.memory_space<vmem>>) target_semaphore(%run_scoped3A : memref<!tpu.dma_semaphore, #tpu.memory_space<semaphore_mem>>)
        %dma_wait3A_73 = tpu.memref_slice %arg3[%add3A_60] : memref<323584xi32, #tpu.memory_space<hbm>> -> memref<128xi32, #tpu.memory_space<hbm>>
        %dma_wait3A_74 = tpu.memref_slice %arg3[%add3A_60] : memref<323584xi32, #tpu.memory_space<hbm>> -> memref<128xi32, #tpu.memory_space<hbm>>
        tpu.wait_dma2 semaphore(%run_scoped3A : memref<!tpu.dma_semaphore, #tpu.memory_space<semaphore_mem>>) src(%dma_wait3A_74 : memref<128xi32, #tpu.memory_space<hbm>>) dst(%arg11 : memref<128xi32, #tpu.memory_space<vmem>>)
        tpu.yield
      }) : () -> ()
      "tpu.region"() ({
        %run_scoped3A = tpu.sem_alloc : memref<!tpu.dma_semaphore, #tpu.memory_space<semaphore_mem>>
        %dma_start3A_71 = tpu.memref_slice %arg4[%add3A_60] : memref<323584xi32, #tpu.memory_space<hbm>> -> memref<128xi32, #tpu.memory_space<hbm>>
        %dma_start3A_72 = tpu.memref_slice %arg4[%add3A_60] : memref<323584xi32, #tpu.memory_space<hbm>> -> memref<128xi32, #tpu.memory_space<hbm>>
        tpu.enqueue_dma source(%dma_start3A_72 : memref<128xi32, #tpu.memory_space<hbm>>) target(%arg12 : memref<128xi32, #tpu.memory_space<vmem>>) target_semaphore(%run_scoped3A : memref<!tpu.dma_semaphore, #tpu.memory_space<semaphore_mem>>)
        %dma_wait3A_73 = tpu.memref_slice %arg4[%add3A_60] : memref<323584xi32, #tpu.memory_space<hbm>> -> memref<128xi32, #tpu.memory_space<hbm>>
        %dma_wait3A_74 = tpu.memref_slice %arg4[%add3A_60] : memref<323584xi32, #tpu.memory_space<hbm>> -> memref<128xi32, #tpu.memory_space<hbm>>
        tpu.wait_dma2 semaphore(%run_scoped3A : memref<!tpu.dma_semaphore, #tpu.memory_space<semaphore_mem>>) src(%dma_wait3A_74 : memref<128xi32, #tpu.memory_space<hbm>>) dst(%arg12 : memref<128xi32, #tpu.memory_space<vmem>>)
        tpu.yield
      }) : () -> ()
      %dma_start3A_63 = arith.constant 0 : i32
      %dma_start3A_64 = arith.constant 0 : i32
      %dma_start3A_65 = tpu.memref_slice %arg2[%dma_start3A_63, %dma_start3A_64] : memref<10240x128xf32, #tpu.memory_space<hbm>> -> memref<10240x128xf32, #tpu.memory_space<hbm>>
      tpu.enqueue_indirect_dma source(%dma_start3A_65 : memref<10240x128xf32, #tpu.memory_space<hbm>>) target(%arg14 : memref<128x128xf32, #tpu.memory_space<vmem>>) offsets(%arg11 : memref<128xi32, #tpu.memory_space<vmem>>) semaphore(%arg18 : memref<!tpu.dma_semaphore, #tpu.memory_space<semaphore_mem>>)
      %dma_wait3A = arith.constant 0 : i32
      %dma_wait3A_66 = arith.constant 0 : i32
      %dma_wait3A_67 = tpu.memref_slice %arg2[%dma_wait3A, %dma_wait3A_66] : memref<10240x128xf32, #tpu.memory_space<hbm>> -> memref<10240x128xf32, #tpu.memory_space<hbm>>
      tpu.wait_indirect_dma semaphore(%arg17 : memref<!tpu.dma_semaphore, #tpu.memory_space<semaphore_mem>>) src(%dma_wait3A_67 : memref<10240x128xf32, #tpu.memory_space<hbm>>) dst(%arg13 : memref<128x128xf32, #tpu.memory_space<vmem>>)
      "tpu.region"() ({
        %run_scoped3A = tpu.sem_alloc : memref<!tpu.dma_semaphore, #tpu.memory_space<semaphore_mem>>
        %dma_start3A_71 = arith.constant 0 : i32
        %dma_start3A_72 = arith.constant 0 : i32
        %dma_start3A_73 = tpu.memref_slice %arg16[%dma_start3A_71, %dma_start3A_72] : memref<10240x128xf32, #tpu.memory_space<vmem_shared>> -> memref<10240x128xf32, #tpu.memory_space<vmem_shared>>
        tpu.enqueue_indirect_dma source(%arg13 : memref<128x128xf32, #tpu.memory_space<vmem>>) target(%dma_start3A_73 : memref<10240x128xf32, #tpu.memory_space<vmem_shared>>) offsets(%arg10 : memref<128xi32, #tpu.memory_space<vmem>>) semaphore(%run_scoped3A : memref<!tpu.dma_semaphore, #tpu.memory_space<semaphore_mem>>) {add = true}
        %dma_wait3A_74 = arith.constant 0 : i32
        %dma_wait3A_75 = arith.constant 0 : i32
        %dma_wait3A_76 = tpu.memref_slice %arg16[%dma_wait3A_74, %dma_wait3A_75] : memref<10240x128xf32, #tpu.memory_space<vmem_shared>> -> memref<10240x128xf32, #tpu.memory_space<vmem_shared>>
        tpu.wait_indirect_dma semaphore(%run_scoped3A : memref<!tpu.dma_semaphore, #tpu.memory_space<semaphore_mem>>) src(%arg13 : memref<128x128xf32, #tpu.memory_space<vmem>>) dst(%dma_wait3A_76 : memref<10240x128xf32, #tpu.memory_space<vmem_shared>>)
        tpu.yield
      }) : () -> ()
      %dma_wait3A_68 = arith.constant 0 : i32
      %dma_wait3A_69 = arith.constant 0 : i32
      %dma_wait3A_70 = tpu.memref_slice %arg2[%dma_wait3A_68, %dma_wait3A_69] : memref<10240x128xf32, #tpu.memory_space<hbm>> -> memref<10240x128xf32, #tpu.memory_space<hbm>>
      tpu.wait_indirect_dma semaphore(%arg18 : memref<!tpu.dma_semaphore, #tpu.memory_space<semaphore_mem>>) src(%dma_wait3A_70 : memref<10240x128xf32, #tpu.memory_space<hbm>>) dst(%arg14 : memref<128x128xf32, #tpu.memory_space<vmem>>)
      "tpu.region"() ({
        %run_scoped3A = tpu.sem_alloc : memref<!tpu.dma_semaphore, #tpu.memory_space<semaphore_mem>>
        %dma_start3A_71 = arith.constant 0 : i32
        %dma_start3A_72 = arith.constant 0 : i32
        %dma_start3A_73 = tpu.memref_slice %arg16[%dma_start3A_71, %dma_start3A_72] : memref<10240x128xf32, #tpu.memory_space<vmem_shared>> -> memref<10240x128xf32, #tpu.memory_space<vmem_shared>>
        tpu.enqueue_indirect_dma source(%arg14 : memref<128x128xf32, #tpu.memory_space<vmem>>) target(%dma_start3A_73 : memref<10240x128xf32, #tpu.memory_space<vmem_shared>>) offsets(%arg12 : memref<128xi32, #tpu.memory_space<vmem>>) semaphore(%run_scoped3A : memref<!tpu.dma_semaphore, #tpu.memory_space<semaphore_mem>>) {add = true}
        %dma_wait3A_74 = arith.constant 0 : i32
        %dma_wait3A_75 = arith.constant 0 : i32
        %dma_wait3A_76 = tpu.memref_slice %arg16[%dma_wait3A_74, %dma_wait3A_75] : memref<10240x128xf32, #tpu.memory_space<vmem_shared>> -> memref<10240x128xf32, #tpu.memory_space<vmem_shared>>
        tpu.wait_indirect_dma semaphore(%run_scoped3A : memref<!tpu.dma_semaphore, #tpu.memory_space<semaphore_mem>>) src(%arg14 : memref<128x128xf32, #tpu.memory_space<vmem>>) dst(%dma_wait3A_76 : memref<10240x128xf32, #tpu.memory_space<vmem_shared>>)
        tpu.yield
      }) : () -> ()
    }
    %barrier3A_43 = arith.constant 0 : index
    tpu.barrier barrier_id(%barrier3A_43)
    %mul3A_44 = arith.constant 640 : i32
    %mul3A_45 = arith.muli %arg1, %mul3A_44 : i32
    %mul3A_46 = arith.constant 640 : i32
    %mul3A_47 = arith.muli %arg1, %mul3A_46 : i32
    "tpu.region"() ({
      %run_scoped3A = tpu.sem_alloc : memref<!tpu.dma_semaphore, #tpu.memory_space<semaphore_mem>>
      %dma_start3A = arith.constant 0 : i32
      %dma_start3A_48 = tpu.memref_slice %arg8[%arg0, %mul3A_47, %dma_start3A] : memref<2x10240x128xf32, #tpu.memory_space<hbm>> -> memref<1x640x128xf32, #tpu.memory_space<hbm>>
      %dma_start3A_49 = tpu.memref_squeeze %dma_start3A_48 : memref<1x640x128xf32, #tpu.memory_space<hbm>> -> memref<640x128xf32, #tpu.memory_space<hbm>>
      %dma_start3A_50 = arith.constant 0 : i32
      %dma_start3A_51 = tpu.memref_slice %arg16[%mul3A_45, %dma_start3A_50] : memref<10240x128xf32, #tpu.memory_space<vmem_shared>> -> memref<640x128xf32, #tpu.memory_space<vmem_shared>>
      tpu.enqueue_dma source(%dma_start3A_51 : memref<640x128xf32, #tpu.memory_space<vmem_shared>>) target(%dma_start3A_49 : memref<640x128xf32, #tpu.memory_space<hbm>>) target_semaphore(%run_scoped3A : memref<!tpu.dma_semaphore, #tpu.memory_space<semaphore_mem>>)
      %dma_wait3A = arith.constant 0 : i32
      %dma_wait3A_52 = tpu.memref_slice %arg8[%arg0, %mul3A_47, %dma_wait3A] : memref<2x10240x128xf32, #tpu.memory_space<hbm>> -> memref<1x640x128xf32, #tpu.memory_space<hbm>>
      %dma_wait3A_53 = tpu.memref_squeeze %dma_wait3A_52 : memref<1x640x128xf32, #tpu.memory_space<hbm>> -> memref<640x128xf32, #tpu.memory_space<hbm>>
      %dma_wait3A_54 = arith.constant 0 : i32
      %dma_wait3A_55 = tpu.memref_slice %arg16[%mul3A_45, %dma_wait3A_54] : memref<10240x128xf32, #tpu.memory_space<vmem_shared>> -> memref<640x128xf32, #tpu.memory_space<vmem_shared>>
      tpu.wait_dma2 semaphore(%run_scoped3A : memref<!tpu.dma_semaphore, #tpu.memory_space<semaphore_mem>>) src(%dma_wait3A_55 : memref<640x128xf32, #tpu.memory_space<vmem_shared>>) dst(%dma_wait3A_53 : memref<640x128xf32, #tpu.memory_space<hbm>>)
      tpu.yield
    }) : () -> ()
    return
  }
}

module attributes {stable_mosaic.version = 14 : i64} {
  func.func @_layer_body(%arg0: i32, %arg1: memref<1024x128xf32, #tpu.memory_space<vmem>>, %arg2: memref<2x1024x128xf32, #tpu.memory_space<vmem>>, %arg3: memref<1024x1xf32, #tpu.memory_space<vmem>>, %arg4: memref<1024x1xf32, #tpu.memory_space<vmem>>, %arg5: memref<128x128xf32, #tpu.memory_space<vmem>>, %arg6: memref<128x128xf32, #tpu.memory_space<vmem>>, %arg7: memref<1x128xf32, #tpu.memory_space<vmem>>, %arg8: memref<1024x128xf32, #tpu.memory_space<vmem>>) attributes {dimension_semantics = [#tpu.dimension_semantics<arbitrary>], iteration_bounds = array<i64: 10>, scalar_prefetch = 0 : i64, scratch_operands = 0 : i64, tpu.core_type = #tpu.core_type<tc>, window_params = [{transform_indices = @transform_0, window_bounds = array<i64: 1024, 128>}, {transform_indices = @transform_1, window_bounds = array<i64: 2, 1024, 128>}, {transform_indices = @transform_2, window_bounds = array<i64: 1024, 1>}, {transform_indices = @transform_3, window_bounds = array<i64: 1024, 1>}, {pipeline_mode = #tpu.pipeline_mode<synchronous>, transform_indices = @transform_4, window_bounds = array<i64: 128, 128>}, {pipeline_mode = #tpu.pipeline_mode<synchronous>, transform_indices = @transform_5, window_bounds = array<i64: 128, 128>}, {pipeline_mode = #tpu.pipeline_mode<synchronous>, transform_indices = @transform_6, window_bounds = array<i64: 1, 128>}, {transform_indices = @transform_7, window_bounds = array<i64: 1024, 128>}]} {
    %get3A = arith.constant 0 : index
    %get3A_0 = arith.constant 0 : index
    %get3A_1 = vector.load %arg3[%get3A, %get3A_0] : memref<1024x1xf32, #tpu.memory_space<vmem>>, vector<1024x1xf32>
    %get3A_2 = arith.constant 0 : index
    %get3A_3 = arith.constant 0 : index
    %get3A_4 = vector.load %arg4[%get3A_2, %get3A_3] : memref<1024x1xf32, #tpu.memory_space<vmem>>, vector<1024x1xf32>
    %add3A = arith.addf %get3A_1, %get3A_4 : vector<1024x1xf32>
    %max3A = arith.constant 1.000000e+00 : f32
    %max3A_5 = vector.broadcast %max3A : f32 to vector<1024x1xf32>
    %max3A_6 = arith.maximumf %add3A, %max3A_5 : vector<1024x1xf32>
    %div3A = arith.constant 1.000000e+00 : f32
    %div3A_7 = vector.broadcast %div3A : f32 to vector<1024x1xf32>
    %div3A_8 = arith.divf %div3A_7, %max3A_6 : vector<1024x1xf32>
    %get3A_9 = arith.constant 0 : index
    %get3A_10 = arith.constant 0 : index
    %get3A_11 = arith.constant 0 : index
    %get3A_12 = vector.load %arg2[%get3A_9, %get3A_10, %get3A_11] : memref<2x1024x128xf32, #tpu.memory_space<vmem>>, vector<1x1024x128xf32>
    %get3A_13 = vector.shape_cast %get3A_12 : vector<1x1024x128xf32> to vector<1024x128xf32>
    %get3A_14 = arith.constant 1 : index
    %get3A_15 = arith.constant 0 : index
    %get3A_16 = arith.constant 0 : index
    %get3A_17 = vector.load %arg2[%get3A_14, %get3A_15, %get3A_16] : memref<2x1024x128xf32, #tpu.memory_space<vmem>>, vector<1x1024x128xf32>
    %get3A_18 = vector.shape_cast %get3A_17 : vector<1x1024x128xf32> to vector<1024x128xf32>
    %add3A_19 = arith.addf %get3A_13, %get3A_18 : vector<1024x128xf32>
    %mul3A = vector.broadcast %div3A_8 : vector<1024x1xf32> to vector<1024x128xf32>
    %mul3A_20 = arith.mulf %add3A_19, %mul3A : vector<1024x128xf32>
    %get3A_21 = arith.constant 0 : index
    %get3A_22 = arith.constant 0 : index
    %get3A_23 = vector.load %arg1[%get3A_21, %get3A_22] : memref<1024x128xf32, #tpu.memory_space<vmem>>, vector<1024x128xf32>
    %get3A_24 = arith.constant 0 : index
    %get3A_25 = arith.constant 0 : index
    %get3A_26 = vector.load %arg5[%get3A_24, %get3A_25] : memref<128x128xf32, #tpu.memory_space<vmem>>, vector<128x128xf32>
    %dot_general3A = arith.constant dense<0.000000e+00> : vector<1024x128xf32>
    %dot_general3A_27 = tpu.matmul %get3A_23, %get3A_26, %dot_general3A {dimension_numbers = #tpu.dot_dimension_numbers<[1], [0], [0], [1], [0, 0, 1, 1], [], []>, transpose_lhs_hint = false} : vector<1024x128xf32>, vector<128x128xf32>, vector<1024x128xf32> -> vector<1024x128xf32>
    %get3A_28 = arith.constant 0 : index
    %get3A_29 = arith.constant 0 : index
    %get3A_30 = vector.load %arg6[%get3A_28, %get3A_29] : memref<128x128xf32, #tpu.memory_space<vmem>>, vector<128x128xf32>
    %dot_general3A_31 = arith.constant dense<0.000000e+00> : vector<1024x128xf32>
    %dot_general3A_32 = tpu.matmul %mul3A_20, %get3A_30, %dot_general3A_31 {dimension_numbers = #tpu.dot_dimension_numbers<[1], [0], [0], [1], [0, 0, 1, 1], [], []>, transpose_lhs_hint = false} : vector<1024x128xf32>, vector<128x128xf32>, vector<1024x128xf32> -> vector<1024x128xf32>
    %add3A_33 = arith.addf %dot_general3A_27, %dot_general3A_32 : vector<1024x128xf32>
    %get3A_34 = arith.constant 0 : index
    %get3A_35 = arith.constant 0 : index
    %get3A_36 = vector.load %arg7[%get3A_34, %get3A_35] : memref<1x128xf32, #tpu.memory_space<vmem>>, vector<1x128xf32>
    %add3A_37 = vector.broadcast %get3A_36 : vector<1x128xf32> to vector<1024x128xf32>
    %add3A_38 = arith.addf %add3A_33, %add3A_37 : vector<1024x128xf32>
    %max3A_39 = arith.constant 0.000000e+00 : f32
    %max3A_40 = vector.broadcast %max3A_39 : f32 to vector<1024x128xf32>
    %max3A_41 = arith.maximumf %add3A_38, %max3A_40 : vector<1024x128xf32>
    %swap3A = arith.constant 0 : index
    %swap3A_42 = arith.constant 0 : index
    %swap3A_43 = vector.load %arg8[%swap3A, %swap3A_42] : memref<1024x128xf32, #tpu.memory_space<vmem>>, vector<1024x128xf32>
    tpu.vector_store %arg8[%swap3A, %swap3A_42], %max3A_41 {strides = array<i32>} : memref<1024x128xf32, #tpu.memory_space<vmem>>, vector<1024x128xf32>,
    return
  }
  func.func @transform_0(%arg0: i32) -> (i32, i32) {
    %c0_i32 = arith.constant 0 : i32
    %c0_i32_0 = arith.constant 0 : i32
    return %arg0, %c0_i32 : i32, i32
  }
  func.func @transform_1(%arg0: i32) -> (i32, i32, i32) {
    %c0_i32 = arith.constant 0 : i32
    %c0_i32_0 = arith.constant 0 : i32
    %c0_i32_1 = arith.constant 0 : i32
    return %c0_i32, %arg0, %c0_i32_0 : i32, i32, i32
  }
  func.func @transform_2(%arg0: i32) -> (i32, i32) {
    %c0_i32 = arith.constant 0 : i32
    %c0_i32_0 = arith.constant 0 : i32
    return %arg0, %c0_i32 : i32, i32
  }
  func.func @transform_3(%arg0: i32) -> (i32, i32) {
    %c0_i32 = arith.constant 0 : i32
    %c0_i32_0 = arith.constant 0 : i32
    return %arg0, %c0_i32 : i32, i32
  }
  func.func @transform_4(%arg0: i32) -> (i32, i32) {
    %c0_i32 = arith.constant 0 : i32
    %c0_i32_0 = arith.constant 0 : i32
    %c0_i32_1 = arith.constant 0 : i32
    return %c0_i32, %c0_i32_0 : i32, i32
  }
  func.func @transform_5(%arg0: i32) -> (i32, i32) {
    %c0_i32 = arith.constant 0 : i32
    %c0_i32_0 = arith.constant 0 : i32
    %c0_i32_1 = arith.constant 0 : i32
    return %c0_i32, %c0_i32_0 : i32, i32
  }
  func.func @transform_6(%arg0: i32) -> (i32, i32) {
    %c0_i32 = arith.constant 0 : i32
    %c0_i32_0 = arith.constant 0 : i32
    %c0_i32_1 = arith.constant 0 : i32
    return %c0_i32, %c0_i32_0 : i32, i32
  }
  func.func @transform_7(%arg0: i32) -> (i32, i32) {
    %c0_i32 = arith.constant 0 : i32
    %c0_i32_0 = arith.constant 0 : i32
    return %arg0, %c0_i32 : i32, i32
  }
}

module attributes {stable_mosaic.version = 14 : i64} {
  func.func @_layer_body(%arg0: i32, %arg1: memref<1024x128xf32, #tpu.memory_space<vmem>>, %arg2: memref<2x1024x128xf32, #tpu.memory_space<vmem>>, %arg3: memref<1024x1xf32, #tpu.memory_space<vmem>>, %arg4: memref<1024x1xf32, #tpu.memory_space<vmem>>, %arg5: memref<128x128xf32, #tpu.memory_space<vmem>>, %arg6: memref<128x128xf32, #tpu.memory_space<vmem>>, %arg7: memref<1x128xf32, #tpu.memory_space<vmem>>, %arg8: memref<1024x128xf32, #tpu.memory_space<vmem>>) attributes {dimension_semantics = [#tpu.dimension_semantics<arbitrary>], iteration_bounds = array<i64: 10>, scalar_prefetch = 0 : i64, scratch_operands = 0 : i64, tpu.core_type = #tpu.core_type<tc>, window_params = [{transform_indices = @transform_0, window_bounds = array<i64: 1024, 128>}, {transform_indices = @transform_1, window_bounds = array<i64: 2, 1024, 128>}, {transform_indices = @transform_2, window_bounds = array<i64: 1024, 1>}, {transform_indices = @transform_3, window_bounds = array<i64: 1024, 1>}, {pipeline_mode = #tpu.pipeline_mode<synchronous>, transform_indices = @transform_4, window_bounds = array<i64: 128, 128>}, {pipeline_mode = #tpu.pipeline_mode<synchronous>, transform_indices = @transform_5, window_bounds = array<i64: 128, 128>}, {pipeline_mode = #tpu.pipeline_mode<synchronous>, transform_indices = @transform_6, window_bounds = array<i64: 1, 128>}, {transform_indices = @transform_7, window_bounds = array<i64: 1024, 128>}]} {
    %get3A = arith.constant 0 : index
    %get3A_0 = arith.constant 0 : index
    %get3A_1 = vector.load %arg3[%get3A, %get3A_0] : memref<1024x1xf32, #tpu.memory_space<vmem>>, vector<1024x1xf32>
    %get3A_2 = arith.constant 0 : index
    %get3A_3 = arith.constant 0 : index
    %get3A_4 = vector.load %arg4[%get3A_2, %get3A_3] : memref<1024x1xf32, #tpu.memory_space<vmem>>, vector<1024x1xf32>
    %add3A = arith.addf %get3A_1, %get3A_4 : vector<1024x1xf32>
    %max3A = arith.constant 1.000000e+00 : f32
    %max3A_5 = vector.broadcast %max3A : f32 to vector<1024x1xf32>
    %max3A_6 = arith.maximumf %add3A, %max3A_5 : vector<1024x1xf32>
    %div3A = arith.constant 1.000000e+00 : f32
    %div3A_7 = vector.broadcast %div3A : f32 to vector<1024x1xf32>
    %div3A_8 = arith.divf %div3A_7, %max3A_6 : vector<1024x1xf32>
    %get3A_9 = arith.constant 0 : index
    %get3A_10 = arith.constant 0 : index
    %get3A_11 = arith.constant 0 : index
    %get3A_12 = vector.load %arg2[%get3A_9, %get3A_10, %get3A_11] : memref<2x1024x128xf32, #tpu.memory_space<vmem>>, vector<1x1024x128xf32>
    %get3A_13 = vector.shape_cast %get3A_12 : vector<1x1024x128xf32> to vector<1024x128xf32>
    %get3A_14 = arith.constant 1 : index
    %get3A_15 = arith.constant 0 : index
    %get3A_16 = arith.constant 0 : index
    %get3A_17 = vector.load %arg2[%get3A_14, %get3A_15, %get3A_16] : memref<2x1024x128xf32, #tpu.memory_space<vmem>>, vector<1x1024x128xf32>
    %get3A_18 = vector.shape_cast %get3A_17 : vector<1x1024x128xf32> to vector<1024x128xf32>
    %add3A_19 = arith.addf %get3A_13, %get3A_18 : vector<1024x128xf32>
    %mul3A = vector.broadcast %div3A_8 : vector<1024x1xf32> to vector<1024x128xf32>
    %mul3A_20 = arith.mulf %add3A_19, %mul3A : vector<1024x128xf32>
    %get3A_21 = arith.constant 0 : index
    %get3A_22 = arith.constant 0 : index
    %get3A_23 = vector.load %arg1[%get3A_21, %get3A_22] : memref<1024x128xf32, #tpu.memory_space<vmem>>, vector<1024x128xf32>
    %get3A_24 = arith.constant 0 : index
    %get3A_25 = arith.constant 0 : index
    %get3A_26 = vector.load %arg5[%get3A_24, %get3A_25] : memref<128x128xf32, #tpu.memory_space<vmem>>, vector<128x128xf32>
    %dot_general3A = arith.constant dense<0.000000e+00> : vector<1024x128xf32>
    %dot_general3A_27 = tpu.matmul %get3A_23, %get3A_26, %dot_general3A {dimension_numbers = #tpu.dot_dimension_numbers<[1], [0], [0], [1], [0, 0, 1, 1], [], []>, transpose_lhs_hint = false} : vector<1024x128xf32>, vector<128x128xf32>, vector<1024x128xf32> -> vector<1024x128xf32>
    %get3A_28 = arith.constant 0 : index
    %get3A_29 = arith.constant 0 : index
    %get3A_30 = vector.load %arg6[%get3A_28, %get3A_29] : memref<128x128xf32, #tpu.memory_space<vmem>>, vector<128x128xf32>
    %dot_general3A_31 = arith.constant dense<0.000000e+00> : vector<1024x128xf32>
    %dot_general3A_32 = tpu.matmul %mul3A_20, %get3A_30, %dot_general3A_31 {dimension_numbers = #tpu.dot_dimension_numbers<[1], [0], [0], [1], [0, 0, 1, 1], [], []>, transpose_lhs_hint = false} : vector<1024x128xf32>, vector<128x128xf32>, vector<1024x128xf32> -> vector<1024x128xf32>
    %add3A_33 = arith.addf %dot_general3A_27, %dot_general3A_32 : vector<1024x128xf32>
    %get3A_34 = arith.constant 0 : index
    %get3A_35 = arith.constant 0 : index
    %get3A_36 = vector.load %arg7[%get3A_34, %get3A_35] : memref<1x128xf32, #tpu.memory_space<vmem>>, vector<1x128xf32>
    %add3A_37 = vector.broadcast %get3A_36 : vector<1x128xf32> to vector<1024x128xf32>
    %add3A_38 = arith.addf %add3A_33, %add3A_37 : vector<1024x128xf32>
    %swap3A = arith.constant 0 : index
    %swap3A_39 = arith.constant 0 : index
    %swap3A_40 = vector.load %arg8[%swap3A, %swap3A_39] : memref<1024x128xf32, #tpu.memory_space<vmem>>, vector<1024x128xf32>
    tpu.vector_store %arg8[%swap3A, %swap3A_39], %add3A_38 {strides = array<i32>} : memref<1024x128xf32, #tpu.memory_space<vmem>>, vector<1024x128xf32>,
    return
  }
  func.func @transform_0(%arg0: i32) -> (i32, i32) {
    %c0_i32 = arith.constant 0 : i32
    %c0_i32_0 = arith.constant 0 : i32
    return %arg0, %c0_i32 : i32, i32
  }
  func.func @transform_1(%arg0: i32) -> (i32, i32, i32) {
    %c0_i32 = arith.constant 0 : i32
    %c0_i32_0 = arith.constant 0 : i32
    %c0_i32_1 = arith.constant 0 : i32
    return %c0_i32, %arg0, %c0_i32_0 : i32, i32, i32
  }
  func.func @transform_2(%arg0: i32) -> (i32, i32) {
    %c0_i32 = arith.constant 0 : i32
    %c0_i32_0 = arith.constant 0 : i32
    return %arg0, %c0_i32 : i32, i32
  }
  func.func @transform_3(%arg0: i32) -> (i32, i32) {
    %c0_i32 = arith.constant 0 : i32
    %c0_i32_0 = arith.constant 0 : i32
    return %arg0, %c0_i32 : i32, i32
  }
  func.func @transform_4(%arg0: i32) -> (i32, i32) {
    %c0_i32 = arith.constant 0 : i32
    %c0_i32_0 = arith.constant 0 : i32
    %c0_i32_1 = arith.constant 0 : i32
    return %c0_i32, %c0_i32_0 : i32, i32
  }
  func.func @transform_5(%arg0: i32) -> (i32, i32) {
    %c0_i32 = arith.constant 0 : i32
    %c0_i32_0 = arith.constant 0 : i32
    %c0_i32_1 = arith.constant 0 : i32
    return %c0_i32, %c0_i32_0 : i32, i32
  }
  func.func @transform_6(%arg0: i32) -> (i32, i32) {
    %c0_i32 = arith.constant 0 : i32
    %c0_i32_0 = arith.constant 0 : i32
    %c0_i32_1 = arith.constant 0 : i32
    return %c0_i32, %c0_i32_0 : i32, i32
  }
  func.func @transform_7(%arg0: i32) -> (i32, i32) {
    %c0_i32 = arith.constant 0 : i32
    %c0_i32_0 = arith.constant 0 : i32
    return %arg0, %c0_i32 : i32, i32
  }
}

</mosaic_0001>

<sc_bundles>
// kernel: kernel.6.cloned.1.call-start
scs
__scs_entry_jumppad:
0x0: {  	(pc) =	sbr.rel $0x88, $3  }
0x1: {  	(tag) =	ssettag $0x0;
	lr =	simm.s32 $0x1  }
0x2: {  	[smem:$0x3F99] =	sst lr;
	_ =	strace $0xD0000000  }
0x3: {  	_ = 	snop  }
0x4: {  	_ = 	snop  }
0x5: {  	_ = 	snop  }
0x6: {  	_ = 	snop  }
0x7: {  	_ = 	snop  }
__scs_overlays_trampoline_lowered:
0x8: {  	[smem:$0x3FA8] =	sst s0  }
0x9: {  	[smem:$0x3FA9] =	sst s1  }
0xa: {  	[smem:$0x3FAA] =	sst s2  }
0xb: {  	[smem:$0x3FAB] =	sst s3  }
0xc: {  	[smem:$0x3FAC] =	sst s4  }
0xd: {  	[smem:$0x3FAD] =	sst s5  }
0xe: {  	[smem:$0x3FAE] =	sst s6  }
0xf: {  	[smem:$0x3FAF] =	sst s7  }
0x10: {  	[smem:$0x3FB0] =	sst s8  }
0x11: {  	[smem:$0x3FB1] =	sst s9;
	s0 =	simm.s32 @!p0 $0x0  }
0x12: {  	s1 =	sld [smem:$0x3F97];
	s0 =	simm.s32 @p0 $0x1  }
0x13: {  	[smem:$0x3FB2] =	sst s0;
	s0 =	simm.s32 @!p1 $0x0  }
0x14: {  	s2 =	sld [smem:$0x3F96];
	s0 =	simm.s32 @p1 $0x1  }
0x15: {  	[smem:$0x3FB3] =	sst s0;
	s0 =	simm.s32 @!p2 $0x0  }
0x16: {  	s3 =	sld [smem:$0x3FDB];
	s0 =	simm.s32 @p2 $0x1  }
0x17: {  	s4 =	simm.s32 $0x1BF5;
	[smem:$0x3FB5] =	sst s0  }
0x18: {  	s0 =	sld [smem:$0x3F98];
	_ =	swait.ge [sflag:s4], $0x0  }
0x19: {  	s7 =	sld [smem:$0x3F99]  }
0x1a: {  	s8 =	sadd.s32 $0xFFFFE003, lr  }
0x1b: {  	s9 =	sadd.s32 $0xFFFFFEF7, lr;
	s5 =	simm.s32 $0xFFFFFFFF;
	p2 =	slt.u32 s8, $0xFFFFF086  }
0x1c: {  	p1 =	slt.u32 s9, $0xF7A;
	s5 =	simm.s32 @!p2 $0x0  }
0x1d: {  	s5 =	simm.s32 @p1 $0x1;
	p0 =	seq.s32 s7, s2  }
0x1e: {  	s7 =	smul.u32 @!p0 $0xF7A, s2;
	p2 =	seq.s32 @!p0 s5, $0x0  }
0x1f: {  	s9 =	smul.u32 $0xF7A, s1;
	s8 =	simm.s32 @!p0 $0x1BF5;
	p2 =	por !p2, p0  }
0x20: {  	[sflag:s8] =	ssyncset.s32 @!p0 $0xFFFFF086;
	s6 =	sadd.s32 @!p0 s3, s7;
	s7 =	simm.s32 @!p0 $0x108  }
0x21: {  	s3 =	sadd.s32 s3, s9;
	s6 =	sadd.s32 @!p0 $0x88, s6;
	s7 =	simm.s32 @p2 $0x1082  }
0x22: {  	[simem:s7], [sflag:s8] =	dma.local @!p0 [hbm:s6], $0xF7A  }
0x23: {  	s9 =	sor.u32 $0xD0000000, s2;
	s6 =	simm.s32 $0x108;
	_ =	swait.ge @!p0 [sflag:s8], $0x0  }
0x24: {  	s3 =	sadd.s32 $0x88, s3;
	s6 =	simm.s32 @!p1 $0x1082;
	[sflag:s4] =	ssyncset.s32 $0xFFFFF086  }
0x25: {  	[simem:s6], [sflag:s4] =	dma.local [hbm:s3], $0xF7A  }
0x26: {  	[smem:$0x3F99] =	sst s1;
	(tag) =	ssettag s2;
	_ =	strace s9  }
0x27: {  	s1 =	sld [smem:$0x3FA9]  }
0x28: {  	s2 =	sld [smem:$0x3FAA]  }
0x29: {  	s4 =	sld [smem:$0x3FAC]  }
0x2a: {  	p0 =	seq.s32 s5, $0x0;
	s5 =	sld [smem:$0x3FAD]  }
0x2b: {  	s6 =	sld [smem:$0x3FAE]  }
0x2c: {  	s7 =	sld [smem:$0x3FAF]  }
0x2d: {  	s3 =	simm.s32 $0x108;
	s8 =	sld [smem:$0x3FB0]  }
0x2e: {  	s3 =	simm.s32 @!p0 $0x1082;
	s9 =	sld [smem:$0x3FB1]  }
0x2f: {  	lr =	sadd.s32 s0, s3;
	s0 =	sld [smem:$0x3FA8]  }
0x30: {  	s3 =	sld [smem:$0x3FAB]  }
0x31: {  	[smem:$0x3FB4] =	sst s10  }
0x32: {  	s10 =	sld [smem:$0x3FB2];
	_ =	sdelay $0x3  }
0x33: {  	p0 =	seq.s32 s10, $0x1;
	s10 =	sld [smem:$0x3FB4];
	_ =	sdelay $0x3  }
0x34: {  	[smem:$0x3FB4] =	sst s10  }
0x35: {  	s10 =	sld [smem:$0x3FB3];
	_ =	sdelay $0x3  }
0x36: {  	p1 =	seq.s32 s10, $0x1;
	s10 =	sld [smem:$0x3FB4];
	_ =	sdelay $0x3  }
0x37: {  	[smem:$0x3FB4] =	sst s10  }
0x38: {  	s10 =	sld [smem:$0x3FB5]  }
0x39: {  	_ = 	snop;
	(pc) =	sbr.ind lr, $3  }
0x3a: {  	_ = 	snop  }
0x3b: {  	_ = 	snop  }
0x3c: {  	p2 =	seq.s32 s10, $0x1;
	s10 =	sld [smem:$0x3FB4]  }
0x3d: {  	_ =	shalt  }
0x3e: {  	_ =	shalt  }
0x3f: {  	_ =	shalt  }
0x40: {  	_ =	shalt  }
0x41: {  	_ =	shalt  }
0x42: {  	_ =	shalt  }
0x43: {  	_ =	shalt  }
0x44: {  	_ =	shalt  }
0x45: {  	_ =	shalt  }
0x46: {  	_ =	shalt  }
0x47: {  	_ =	shalt  }
0x48: {  	_ =	shalt  }
0x49: {  	_ =	shalt  }
0x4a: {  	_ =	shalt  }
0x4b: {  	_ =	shalt  }
0x4c: {  	_ =	shalt  }
0x4d: {  	_ =	shalt  }
0x4e: {  	_ =	shalt  }
0x4f: {  	_ =	shalt  }
0x50: {  	_ =	shalt  }
0x51: {  	_ =	shalt  }
0x52: {  	_ =	shalt  }
0x53: {  	_ =	shalt  }
0x54: {  	_ =	shalt  }
0x55: {  	_ =	shalt  }
0x56: {  	_ =	shalt  }
0x57: {  	_ =	shalt  }
0x58: {  	_ =	shalt  }
0x59: {  	_ =	shalt  }
0x5a: {  	_ =	shalt  }
0x5b: {  	_ =	shalt  }
0x5c: {  	_ =	shalt  }
0x5d: {  	_ =	shalt  }
0x5e: {  	_ =	shalt  }
0x5f: {  	_ =	shalt  }
0x60: {  	_ =	shalt  }
0x61: {  	_ =	shalt  }
0x62: {  	_ =	shalt  }
0x63: {  	_ =	shalt  }
0x64: {  	_ =	shalt  }
0x65: {  	_ =	shalt  }
0x66: {  	_ =	shalt  }
0x67: {  	_ =	shalt  }
0x68: {  	_ =	shalt  }
0x69: {  	_ =	shalt  }
0x6a: {  	_ =	shalt  }
0x6b: {  	_ =	shalt  }
0x6c: {  	_ =	shalt  }
0x6d: {  	_ =	shalt  }
0x6e: {  	_ =	shalt  }
0x6f: {  	_ =	shalt  }
0x70: {  	_ =	shalt  }
0x71: {  	_ =	shalt  }
0x72: {  	_ =	shalt  }
0x73: {  	_ =	shalt  }
0x74: {  	_ =	shalt  }
0x75: {  	_ =	shalt  }
0x76: {  	_ =	shalt  }
0x77: {  	_ =	shalt  }
0x78: {  	_ =	shalt  }
0x79: {  	_ =	shalt  }
0x7a: {  	_ =	shalt  }
0x7b: {  	_ =	shalt  }
0x7c: {  	_ =	shalt  }
0x7d: {  	_ =	shalt  }
0x7e: {  	_ =	shalt  }
0x7f: {  	_ =	shalt  }
0x80: {  	_ =	shalt  }
0x81: {  	_ =	shalt  }
0x82: {  	_ =	shalt  }
0x83: {  	_ =	shalt  }
0x84: {  	_ =	shalt  }
0x85: {  	_ =	shalt  }
0x86: {  	_ =	shalt  }
0x87: {  	_ =	shalt  }
.Lfunc_end0:
.L_simem_size_0:
called_computation_lowered:
.L_overlay_start_0:
0x88: {  	s2 =	sld [smem:$0x3FD9]  }
0x89: {  	s3 =	sld [smem:$0x3FFE];
	_ =	sdelay $0x1  }
0x8a: {  	s1 =	srdreg.scid  }
0x8b: {  	s0 =	sand.u32 $0x1, s1  }
0x8c: {  	s14 =	sshll.u32 s0, $0xA;
	s2 =	sadd.s32 s3, s2  }
0x8d: {  	s2 =	sadd.s32 s2, s14  }
0x8e: {  	[smem:$0x3FC0] =	sst s2  }
0x8f: {  	_ = 	snop  }
0x90: {  	s2 =	sld [smem:$0x3FD0];
	_ =	sdelay $0x2  }
0x91: {  	s15 =	simm.s32 $0xA;
	s4 =	simm.s32 $0x10  }
0x92: {  	[smem:s4], [sflag:s15] =	dma.local [hbm:s2], $0x1  }
0x93: {  	_ =	swait.eq [sflag:s15], $0x1  }
0x94: {  	[sflag:s15] =	ssyncset.done $0x0  }
0x95: {  	s16 =	sld [smem:$0x10];
	[sflag:s15] =	ssyncadd.s32 $0xFFFFFFFF  }
0x96: {  	s17 =	sld [smem:$0x11];
	(tm) =	ssettm $0x1  }
0x97: {  	s18 =	sld [smem:$0x3FFB];
	_ =	sdelay $0x3  }
0x98: {  	_ =	strace s18  }
0x99: {  	s4 =	sld [smem:$0x3FFC];
	_ =	sdelay $0x3  }
0x9a: {  	_ =	strace s4  }
0x9b: {  	s4 =	sld [smem:$0x3FFD];
	_ =	sdelay $0x3  }
0x9c: {  	_ =	strace s4  }
0x9d: {  	_ =	strace $0x8FFFFFFF  }
0x9e: {  	s19 =	sld [smem:$0x3FDB];
	_ =	sdelay $0x1  }
0x9f: {  	s5 =	simm.s32 $_scs_section_size  }
0xa0: {  	s6 =	simm.s32 $_size__tile_overlayer_lowered;
	s7 =	simm.s32 $_tile_overlayer_lowered  }
0xa1: {  	s22 =	simm.s32 $0x1BFF;
	s21 =	sshll.u32 s7, $0x1;
	s4 =	sadd.s32 s5, s19  }
0xa2: {  	s8 =	simm.s32 $0x0;
	s20 =	sshll.u32 s6, $0x1;
	s6 =	sadd.s32 s21, s4  }
0xa3: {  	[timem:s8], [sflag:s22] =	dma.local [hbm:s6], s20  }
0xa4: {  	_ =	swait.ge [sflag:s22], s20  }
0xa5: {  	s5 =	ssub.s32 $0x0, s20;
	[sflag:s22] =	ssyncset.done $0x0  }
0xa6: {  	[sflag:s22] =	ssyncadd.s32 s5;
	_ =	sdelay $0x1  }
0xa7: {  	s23 =	simm.s32 $0x1B8B  }
0xa8: {  	_ =	swait.ge [sflag:s23], $0x1  }
0xa9: {  	[sflag:s23] =	ssyncset.done $0x0  }
0xaa: {  	s25 =	simm.s32 $0x1B8E;
	s24 =	sld [smem:$0x3FFE];
	[sflag:s23] =	ssyncadd.s32 $0xFFFFFFFF  }
0xab: {  	s26 =	simm.s32 $execute0_lowered;
	[smem:$0x3FD2] =	sst s25  }
0xac: {  	s6 =	sshll.u32 s26, $0x1;
	_ =	strace $0x80000046;
	[dreg:$0x1] =	wrdreg $0xFFFFFFFF  }
0xad: {  	s28 =	simm.s32 $_size_execute0_lowered;
	s4 =	sadd.s32 s4, s6;
	[dreg:$0x0] =	wrdreg $0x0  }
0xae: {  	s6 =	sshll.u32 s28, $0x1;
	[dreg:$0x2] =	wrdreg s4  }
0xaf: {  	[dreg:$0x3] =	wrdreg s6  }
0xb0: {  	[dreg:$0x4] =	wrdreg $0xC0  }
0xb1: {  	_ =	task [dreg:s8], $0x5FFFF  }
0xb2: {  	[dreg:$0x1] =	wrdreg $0xFFFFFFFF  }
0xb3: {  	[dreg:$0x0] =	wrdreg $0x60  }
0xb4: {  	[dreg:$0x2] =	wrdreg s24  }
0xb5: {  	[dreg:$0x3] =	wrdreg s16  }
0xb6: {  	[dreg:$0x4] =	wrdreg s17  }
0xb7: {  	[dreg:$0x5] =	wrdreg $0x82800  }
0xb8: {  	[dreg:$0x6] =	wrdreg $0x1C2800  }
0xb9: {  	[dreg:$0x7] =	wrdreg $0x9  }
0xba: {  	_ =	task.clear_ibuf [dreg:s8], $0x8FFFF;
	_ =	strace $0x90000046  }
0xbb: {  	s29 =	simm.s32 $0x9;
	_ =	strace $0x80000048  }
0xbc: {  	_ =	swait.ge [sflag:s29], $0x1  }
0xbd: {  	[sflag:s29] =	ssyncadd.s32 $0xFFFFFFFF  }
0xbe: {  	_ =	strace $0x90000048  }
0xbf: {  	_ =	sfence  }
0xc0: {  	s30 =	sld [smem:$0x0];
	_ =	sdelay $0x2  }
0xc1: {  	s31 =	sshll.u32 s1, $0xD;
	s1 =	sshrl.u32 s1, $0x2  }
0xc2: {  	s3 =	sand.u32 $0x4000, s31;
	s1 =	sadd.s32 s1, s30  }
0xc3: {  	s0 =	sor.u32 s3, s0;
	s1 =	sshll.u32 s1, $0x11  }
0xc4: {  	s0 =	sor.u32 s1, s0  }
0xc5: {  	s0 =	sadd.s32 $0x8F2B, s0  }
0xc6: {  	[sflag:s0] =	ssyncadd.remote.s32 $0x1  }
0xc7: {  	_ =	sfence.sel $0xFFFF  }
0xc8: {  	[dreg:$0x0] =	wrdreg $0xFFFFFFFF;
	(pc) =	sbr.abs _section_cstart, $3  }
0xc9: {  	[dreg:$0x1] =	wrdreg $0xFFFFFFFF  }
0xca: {  	_ =	task.clear_ibuf [dreg:s8], $0x2FFFF;
	_ =	strace $0x9FFFFFFF  }
0xcb: {  	(tm) =	ssettm $0x7FFFFFFF  }
tec
execute0_lowered:
.L_overlay_start_1:
0x0: {  	(tag) =	ssettag $0x1  }
0x1: {  	s0 =	rddreg [dreg:$0x0]  }
0x2: {  	s1 =	rddreg [dreg:$0x1]  }
0x3: {  	s3 =	rddreg [dreg:$0x3]  }
0x4: {  	s4 =	rddreg [dreg:$0x4];
	s2 =	stileid.u32;
	s5 =	simm.s32 $0x0  }
0x5: {  	s6 =	srdreg.scid;
	s20 =	simm.s32 $0x80;
	s7 =	smul.u32 $0x3C, s2  }
0x6: {  	s21 =	simm.s32 $0x200;
	s9 =	sand.u32 $0x1, s6;
	s6 =	smul.u32 $0x62, s2  }
0x7: {  	s22 =	simm.s32 $0x100;
	s23 =	simm.s32 $0x180;
	s10 =	smul.u32 $0x14000, s2  }
0x8: {  	s28 =	simm.s32 $0x20;
	s29 =	simm.s32 $0x10;
	s11 =	smul.u32 $0x500, s2  }
0x9: {  	s30 =	simm.s32 $0x0;
	[smem:$0x7FF] =	sst s5;
	s24 =	smul.u32 $0x50000, s2  }
0xa: {  	s16 =	smul.u32 $0xA00, s2;
	s31 =	sshll.u32 s2, $0x6;
	p0 =	seq.s32 s9, $0x0  }
0xb: {  	s8 =	smul.u32 $0x140000, s9;
	_ =	strace $0x80000047;
	s12 =	sshll.u32 s9, $0x7  }
0xc: {  	s9 =	ssub.s32 $0x2, s9;
	s17 =	sor.u32 $0x1C03, s31;
	s7 =	sadd.s32 $0x620, s7  }
0xd: {  	s11 =	sor.u32 s12, s11;
	s15 =	sshrl.u32 s9, $0x1;
	s25 =	sshrl.u32 s24, $0x2  }
0xe: {  	s26 =	sshrl.u32 s16, $0x2;
	s16 =	simm.s32 $0x3;
	s24 =	simm.s32 $0x4200  }
0xf: {  	s7 =	smov.u32 @p0 s6;
	s6 =	sadd.s32 $0xB800, s0;
	s8 =	sadd.s32 s10, s8  }
0x10: {  	s11 =	sshrl.u32 s11, $0x3;
	s15 =	ssub.s32 s9, s15;
	s18 =	sadd.s32 s25, s3  }
0x11: {  	s9 =	simm.s32 $0x31;
	s19 =	sadd.s32 s26, s4;
	s25 =	simm.s32 $0x1  }
0x12: {  	s26 =	simm.s32 $0x2;
	s13 =	sshll.u32 s7, $0x4;
	s7 =	sadd.s32 $0x33800, s0  }
0x13: {  	s10 =	sshrl.u32 s8, $0x3;
	s8 =	sadd.s32 $0x36000, s0;
	s9 =	simm.s32 @!p0 $0x1E  }
0x14: {  	s12 =	smax.u32 s15, $0x1;
	s15 =	simm.s32 $0x8200;
	s18 =	sshrl.u32 s18, $0x3  }
0x15: {  	s19 =	sshrl.u32 s19, $0x3;
	s14 =	sadd.s32 s13, s0;
	s10 =	sadd.s32 s10, s0  }
0x16: {  	s0 =	sadd.s32 s11, s0;
	s1 =	sadd.s32 s13, s1;
	s10 =	sadd.s32 $0x36C00, s10  }
0x17: {  	s11 =	sadd.s32 $0x36200, s0;
	s0 =	sadd.s32 $0x1A10, s14;
	s14 =	sadd.s32 $0x10, s1  }
.LBB2_1:
0x18: {  	s1 =	rddreg [dreg:$0x2]  }
0x19: {  	[tilespmem:s15], [sflag:$0x3] =	stream.linear.gather [hbm4b:s1+s5], $0x80, $0x38;
	[tilespmem:$0x1C500] =	vst v63  }
0x1a: {  	_ =	swait.ge [sflag:s16], $0x80  }
0x1b: {  	[sflag:s16] =	ssyncset.done $0x0  }
0x1c: {  	[sflag:s16] =	ssyncadd.s32 $0xFFFFFF80  }
0x1d: {  	[spmem:s18], [sflag:s17] =	dma.local [hbm:s7], $0x2800  }
0x1e: {  	_ =	swait.ge [sflag:s16], $0x2800  }
0x1f: {  	[sflag:s16] =	ssyncset.done $0x0  }
0x20: {  	p1 =	sne.s32 s9, $0x1;
	[sflag:s16] =	ssyncadd.s32 $0xFFFFD800  }
0x21: {  	[spmem:s19], [sflag:s17] =	dma.local [hbm:s8], $0x50  }
.Ltmp0:
0x22: {  	_ =	swait.ge [sflag:s16], $0x50;
	(pc) =	sbr.rel @!p1 .LBB2_5-.Ltmp0, $4  }
0x23: {  	[sflag:s16] =	ssyncset.done $0x0  }
0x24: {  	[sflag:s16] =	ssyncadd.s32 $0xFFFFFFB0  }
0x25: {  	p0 =	por $0x0, $0x0;
	[bflag:$0x0] =	sbarrier.arrive $0xFFFF  }
0x26: {  	s31 =	smov.u32 s14;
	s13 =	smov.u32 s0;
	s1 =	sadd.s32 $0xFFFFFFFF, s9  }
0x27: {  	s13 =	sadd.s32 $0xFFFFFFF0, s14  }
0x28: {  	[tilespmem:s5], [sflag:$0x3] =	stream.linear.gather [hbm4b:s13+s5], $0x80, $0x38;
	[tilespmem:$0x1C500] =	vst v63  }
0x29: {  	_ =	swait.ge [sflag:s16], $0x80  }
0x2a: {  	[sflag:s16] =	ssyncset.done $0x0  }
0x2b: {  	s2 =	sadd.s32 $0xFFFFFFF0, s0;
	[sflag:s16] =	ssyncadd.s32 $0xFFFFFF80  }
0x2c: {  	[tilespmem:s20], [sflag:$0x3] =	stream.linear.gather [hbm4b:s2+s5], $0x80, $0x38;
	[tilespmem:$0x1C500] =	vst v63  }
0x2d: {  	_ =	swait.ge [sflag:s16], $0x80  }
0x2e: {  	[sflag:s16] =	ssyncset.done $0x0  }
0x2f: {  	[sflag:s16] =	ssyncadd.s32 $0xFFFFFF80  }
0x30: {  	[tilespmem:s21], [sflag:$0x1] =	stream.indirect.gather [hbm4b:s6+s20], $0x80, s5, s20, $0xb8;
	[tilespmem:$0x1C500] =	vst v63  }
0x31: {  	_ = 	snop  }
0x32: {  	[tilespmem:s22], [sflag:$0x3] =	stream.linear.gather [hbm4b:s14+s5], $0x80, $0x38;
	[tilespmem:$0x1C500] =	vst v63  }
0x33: {  	_ =	swait.ge [sflag:s16], $0x80  }
0x34: {  	[sflag:s16] =	ssyncset.done $0x0  }
0x35: {  	[sflag:s16] =	ssyncadd.s32 $0xFFFFFF80  }
0x36: {  	[tilespmem:s23], [sflag:$0x3] =	stream.linear.gather [hbm4b:s0+s5], $0x80, $0x38;
	[tilespmem:$0x1C500] =	vst v63  }
0x37: {  	_ =	swait.ge [sflag:s16], $0x80  }
0x38: {  	[sflag:s16] =	ssyncset.done $0x0  }
0x39: {  	[sflag:s16] =	ssyncadd.s32 $0xFFFFFF80  }
0x3a: {  	[tilespmem:s24], [sflag:$0x2] =	stream.indirect.gather [hbm4b:s6+s20], $0x80, s22, s20, $0xb8;
	[tilespmem:$0x1C500] =	vst v63  }
0x3b: {  	_ =	swait.ge [sflag:s25], $0x4000  }
0x3c: {  	[sflag:s25] =	ssyncset.done $0x0  }
0x3d: {  	[sflag:s25] =	ssyncadd.s32 $0xFFFFC000  }
0x3e: {  	[spmem:s3] =	stream.indirect.scatter.add.f32 [tilespmem:s21], [sflag:$0x3], $0x80, s20, s20, $0xb8;
	[tilespmem:$0x1C500] =	vst v63  }
0x3f: {  	_ =	swait.ge [sflag:s16], $0x4000  }
0x40: {  	[sflag:s16] =	ssyncset.done $0x0  }
0x41: {  	[sflag:s16] =	ssyncadd.s32 $0xFFFFC000  }
0x42: {  	[spmem:s4] =	stream.indirect.scatter.add.f32 [tilespmem:s15], [sflag:$0x3], $0x1, s20, s20, $0xb8;
	[tilespmem:$0x1C500] =	vst v63  }
0x43: {  	_ =	swait.ge [sflag:s16], $0x80  }
0x44: {  	[sflag:s16] =	ssyncset.done $0x0  }
0x45: {  	[sflag:s16] =	ssyncadd.s32 $0xFFFFFF80  }
0x46: {  	_ =	swait.ge [sflag:s26], $0x4000  }
0x47: {  	[sflag:s26] =	ssyncset.done $0x0  }
0x48: {  	[sflag:s26] =	ssyncadd.s32 $0xFFFFC000  }
0x49: {  	[spmem:s3] =	stream.indirect.scatter.add.f32 [tilespmem:s24], [sflag:$0x3], $0x80, s23, s20, $0xb8;
	[tilespmem:$0x1C500] =	vst v63  }
0x4a: {  	p1 =	sne.s32 s1, $0x1;
	_ =	swait.ge [sflag:s16], $0x4000  }
.Ltmp1:
0x4b: {  	[sflag:s16] =	ssyncset.done $0x0;
	(pc) =	sbr.rel @!p1 .LBB2_3-.Ltmp1, $4  }
0x4c: {  	[sflag:s16] =	ssyncadd.s32 $0xFFFFC000  }
0x4d: {  	[spmem:s4] =	stream.indirect.scatter.add.f32 [tilespmem:s15], [sflag:$0x3], $0x1, s23, s20, $0xb8;
	[tilespmem:$0x1C500] =	vst v63  }
0x4e: {  	s1 =	sadd.s32 $0xFFFFFFFF, s1;
	s31 =	sadd.s32 $0x20, s14;
	_ =	swait.ge [sflag:s16], $0x80  }
0x4f: {  	p0 =	por $0x1, $0x1;
	s13 =	smov.u32 s0;
	[sflag:s16] =	ssyncset.done $0x0  }
.LBB2_4:
0x50: {  	s2 =	sadd.s32 $0xFFFFFFF0, s31;
	[sflag:s16] =	ssyncadd.s32 $0xFFFFFF80;
	s13 =	sadd.s32 $0x20, s13  }
0x51: {  	[tilespmem:s5], [sflag:$0x3] =	stream.linear.gather [hbm4b:s2+s5], $0x80, $0x38;
	[tilespmem:$0x1C500] =	vst v63  }
0x52: {  	p1 =	sne.s32 s1, $0x1;
	s1 =	sadd.s32 $0xFFFFFFFF, s1;
	_ =	swait.ge [sflag:s16], $0x80  }
0x53: {  	[sflag:s16] =	ssyncset.done $0x0  }
0x54: {  	s2 =	sadd.s32 $0xFFFFFFF0, s13;
	[sflag:s16] =	ssyncadd.s32 $0xFFFFFF80  }
0x55: {  	[tilespmem:s20], [sflag:$0x3] =	stream.linear.gather [hbm4b:s2+s5], $0x80, $0x38;
	[tilespmem:$0x1C500] =	vst v63  }
0x56: {  	_ =	swait.ge [sflag:s16], $0x80  }
0x57: {  	[sflag:s16] =	ssyncset.done $0x0  }
0x58: {  	[sflag:s16] =	ssyncadd.s32 $0xFFFFFF80  }
0x59: {  	[tilespmem:s21], [sflag:$0x1] =	stream.indirect.gather [hbm4b:s6+s20], $0x80, s5, s20, $0xb8;
	[tilespmem:$0x1C500] =	vst v63  }
0x5a: {  	_ = 	snop  }
0x5b: {  	[tilespmem:s22], [sflag:$0x3] =	stream.linear.gather [hbm4b:s31+s5], $0x80, $0x38;
	[tilespmem:$0x1C500] =	vst v63  }
0x5c: {  	_ =	swait.ge [sflag:s16], $0x80  }
0x5d: {  	[sflag:s16] =	ssyncset.done $0x0  }
0x5e: {  	[sflag:s16] =	ssyncadd.s32 $0xFFFFFF80  }
0x5f: {  	[tilespmem:s23], [sflag:$0x3] =	stream.linear.gather [hbm4b:s13+s5], $0x80, $0x38;
	[tilespmem:$0x1C500] =	vst v63  }
0x60: {  	_ =	swait.ge [sflag:s16], $0x80  }
0x61: {  	[sflag:s16] =	ssyncset.done $0x0  }
0x62: {  	[sflag:s16] =	ssyncadd.s32 $0xFFFFFF80  }
0x63: {  	[tilespmem:s24], [sflag:$0x2] =	stream.indirect.gather [hbm4b:s6+s20], $0x80, s22, s20, $0xb8;
	[tilespmem:$0x1C500] =	vst v63  }
0x64: {  	_ =	swait.ge [sflag:s25], $0x4000  }
0x65: {  	[sflag:s25] =	ssyncset.done $0x0  }
0x66: {  	[sflag:s25] =	ssyncadd.s32 $0xFFFFC000  }
0x67: {  	[spmem:s3] =	stream.indirect.scatter.add.f32 [tilespmem:s21], [sflag:$0x3], $0x80, s20, s20, $0xb8;
	[tilespmem:$0x1C500] =	vst v63  }
0x68: {  	_ =	swait.ge [sflag:s16], $0x4000  }
0x69: {  	[sflag:s16] =	ssyncset.done $0x0  }
0x6a: {  	[sflag:s16] =	ssyncadd.s32 $0xFFFFC000  }
0x6b: {  	[spmem:s4] =	stream.indirect.scatter.add.f32 [tilespmem:s15], [sflag:$0x3], $0x1, s20, s20, $0xb8;
	[tilespmem:$0x1C500] =	vst v63  }
0x6c: {  	_ =	swait.ge [sflag:s16], $0x80  }
0x6d: {  	[sflag:s16] =	ssyncset.done $0x0  }
0x6e: {  	[sflag:s16] =	ssyncadd.s32 $0xFFFFFF80  }
0x6f: {  	_ =	swait.ge [sflag:s26], $0x4000  }
0x70: {  	[sflag:s26] =	ssyncset.done $0x0  }
0x71: {  	[sflag:s26] =	ssyncadd.s32 $0xFFFFC000  }
0x72: {  	[spmem:s3] =	stream.indirect.scatter.add.f32 [tilespmem:s24], [sflag:$0x3], $0x80, s23, s20, $0xb8;
	[tilespmem:$0x1C500] =	vst v63  }
0x73: {  	_ =	swait.ge [sflag:s16], $0x4000  }
.Ltmp2:
0x74: {  	[sflag:s16] =	ssyncset.done $0x0;
	(pc) =	sbr.rel @p1 .LBB2_4-.Ltmp2, $4  }
0x75: {  	[sflag:s16] =	ssyncadd.s32 $0xFFFFC000  }
0x76: {  	[spmem:s4] =	stream.indirect.scatter.add.f32 [tilespmem:s15], [sflag:$0x3], $0x1, s23, s20, $0xb8;
	[tilespmem:$0x1C500] =	vst v63  }
0x77: {  	_ =	swait.ge [sflag:s16], $0x80  }
0x78: {  	s31 =	sadd.s32 $0x20, s31;
	[sflag:s16] =	ssyncset.done $0x0  }
.LBB2_5:
0x79: {  	s1 =	sadd.s32 $0xFFFFFFF0, s31;
	[sflag:s16] =	ssyncadd.s32 @p0 $0xFFFFFF80  }
0x7a: {  	[tilespmem:s5], [sflag:$0x3] =	stream.linear.gather [hbm4b:s1+s5], $0x80, $0x38;
	[tilespmem:$0x1C500] =	vst v63  }
0x7b: {  	s2 =	smov.u32 s0;
	s1 =	sadd.s32 @p0 $0x20, s13;
	_ =	swait.ge [sflag:s16], $0x80  }
0x7c: {  	s2 =	smov.u32 @p0 s1;
	[sflag:s16] =	ssyncset.done $0x0  }
0x7d: {  	s1 =	sadd.s32 $0xFFFFFFF0, s2;
	[sflag:s16] =	ssyncadd.s32 $0xFFFFFF80  }
0x7e: {  	[tilespmem:s20], [sflag:$0x3] =	stream.linear.gather [hbm4b:s1+s5], $0x80, $0x38;
	[tilespmem:$0x1C500] =	vst v63  }
0x7f: {  	_ =	swait.ge [sflag:s16], $0x80  }
0x80: {  	[sflag:s16] =	ssyncset.done $0x0  }
0x81: {  	[sflag:s16] =	ssyncadd.s32 $0xFFFFFF80  }
0x82: {  	[tilespmem:s21], [sflag:$0x1] =	stream.indirect.gather [hbm4b:s6+s20], $0x80, s5, s20, $0xb8;
	[tilespmem:$0x1C500] =	vst v63  }
0x83: {  	_ = 	snop  }
0x84: {  	[tilespmem:s22], [sflag:$0x3] =	stream.linear.gather [hbm4b:s31+s5], $0x80, $0x38;
	[tilespmem:$0x1C500] =	vst v63  }
0x85: {  	_ =	swait.ge [sflag:s16], $0x80  }
0x86: {  	[sflag:s16] =	ssyncset.done $0x0  }
0x87: {  	[sflag:s16] =	ssyncadd.s32 $0xFFFFFF80  }
0x88: {  	[tilespmem:s23], [sflag:$0x3] =	stream.linear.gather [hbm4b:s2+s5], $0x80, $0x38;
	[tilespmem:$0x1C500] =	vst v63  }
0x89: {  	_ =	swait.ge [sflag:s16], $0x80  }
0x8a: {  	[sflag:s16] =	ssyncset.done $0x0  }
0x8b: {  	[sflag:s16] =	ssyncadd.s32 $0xFFFFFF80  }
0x8c: {  	[tilespmem:s24], [sflag:$0x2] =	stream.indirect.gather [hbm4b:s6+s20], $0x80, s22, s20, $0xb8;
	[tilespmem:$0x1C500] =	vst v63  }
0x8d: {  	_ =	swait.ge [sflag:s25], $0x4000  }
0x8e: {  	[sflag:s25] =	ssyncset.done $0x0  }
0x8f: {  	[sflag:s25] =	ssyncadd.s32 $0xFFFFC000  }
0x90: {  	[spmem:s3] =	stream.indirect.scatter.add.f32 [tilespmem:s21], [sflag:$0x3], $0x80, s20, s20, $0xb8;
	[tilespmem:$0x1C500] =	vst v63  }
0x91: {  	_ =	swait.ge [sflag:s16], $0x4000  }
0x92: {  	[sflag:s16] =	ssyncset.done $0x0  }
0x93: {  	[sflag:s16] =	ssyncadd.s32 $0xFFFFC000  }
0x94: {  	[spmem:s4] =	stream.indirect.scatter.add.f32 [tilespmem:s15], [sflag:$0x3], $0x1, s20, s20, $0xb8;
	[tilespmem:$0x1C500] =	vst v63  }
0x95: {  	_ =	swait.ge [sflag:s16], $0x80  }
0x96: {  	[sflag:s16] =	ssyncset.done $0x0  }
0x97: {  	[sflag:s16] =	ssyncadd.s32 $0xFFFFFF80  }
0x98: {  	_ =	swait.ge [sflag:s26], $0x4000  }
0x99: {  	[sflag:s26] =	ssyncset.done $0x0  }
0x9a: {  	[sflag:s26] =	ssyncadd.s32 $0xFFFFC000  }
0x9b: {  	[spmem:s3] =	stream.indirect.scatter.add.f32 [tilespmem:s24], [sflag:$0x3], $0x80, s23, s20, $0xb8;
	[tilespmem:$0x1C500] =	vst v63  }
0x9c: {  	_ =	swait.ge [sflag:s16], $0x4000  }
0x9d: {  	[sflag:s16] =	ssyncset.done $0x0  }
0x9e: {  	[sflag:s16] =	ssyncadd.s32 $0xFFFFC000  }
0x9f: {  	[spmem:s4] =	stream.indirect.scatter.add.f32 [tilespmem:s15], [sflag:$0x3], $0x1, s23, s20, $0xb8;
	[tilespmem:$0x1C500] =	vst v63  }
0xa0: {  	_ =	swait.ge [sflag:s16], $0x80  }
0xa1: {  	[sflag:s16] =	ssyncset.done $0x0  }
0xa2: {  	[sflag:s16] =	ssyncadd.s32 $0xFFFFFF80  }
0xa3: {  	[bflag:$0x0] =	sbarrier.arrive $0xFFFF  }
0xa4: {  	[hbm:s10], [sflag:s17] =	dma.local [spmem:s18], $0x2800  }
0xa5: {  	_ =	swait.ge [sflag:s16], $0x2800  }
0xa6: {  	s30 =	sadd.s32 $0x1, s30;
	[sflag:s16] =	ssyncset.done $0x0  }
0xa7: {  	p0 =	sne.s32 s30, s12;
	[sflag:s16] =	ssyncadd.s32 $0xFFFFD800  }
0xa8: {  	[hbm:s11@s28], [sflag:s17] =	dma.strided [spmem:s19@s29], $0x50, s25, $0x10   }
.Ltmp3:
0xa9: {  	_ = 	snop;
	(pc) =	sbr.rel @p0 .LBB2_1-.Ltmp3, $4  }
.Ltmp4:
0xaa: {  	_ = 	snop;
	(pc) =	sbr.rel @!p0 .LBB2_6-.Ltmp4, $4  }
0xab: {  	_ =	swait.ge [sflag:s16], $0x50  }
0xac: {  	[sflag:s16] =	ssyncset.done $0x0  }
0xad: {  	[sflag:s16] =	ssyncadd.s32 $0xFFFFFFB0  }
0xae: {  	_ = 	snop  }
.LBB2_3:
.Ltmp5:
0xaf: {  	(pc) =	sbr.rel .LBB2_5-.Ltmp5, $2  }
0xb0: {  	_ =	sdelay $0x2  }
0xb1: {  	s13 =	smov.u32 s0  }
.LBB2_6:
0xb2: {  	_ =	sfence.sel $0x180000  }
0xb3: {  	[bflag:$0x0] =	sbarrier.arrive $0xFFFF  }
0xb4: {  	_ =	strace $0x90000047  }
0xb5: {  	s0 =	stileid.u32;
	[bflag:$0x2] =	sbarrier.arrive $0xFFFF  }
0xb6: {  	p0 =	sne.s32 s0, $0x0;
	s0 =	rddreg [dreg:$0x5]  }
0xb7: {  	s0 =	sadd.s32 @!p0 $0x100000, s0  }
0xb8: {  	[sflag:s0] =	ssyncadd.tile.s32 @!p0 $0x1;
	_ =	shalt  }
.Lfunc_end2:
_tile_overlayer_lowered:
.L_overlay_start_2:
0xb9: {  	(tag) =	ssettag $0x2  }
0xba: {  	s0 =	rddreg [dreg:$0x0];
	s2 =	stileid.u32  }
0xbb: {  	s1 =	rddreg [dreg:$0x1];
	p0 =	sne.s32 s2, $0x0  }
0xbc: {  	s3 =	rddreg [dreg:$0x2];
	[bflag:$0x3] =	sbarrier.arrive $0xFFFF;
	s2 =	simm.s32 @!p0 $0x1C03  }
0xbd: {  	[timem:s3], [sflag:s2] =	dma.local @!p0 [hbm:s0], s1  }
0xbe: {  	s0 =	simm.s32 @!p0 $0x3  }
0xbf: {  	_ =	swait.ge @!p0 [sflag:s0], s1  }
0xc0: {  	s1 =	ssub.s32 @!p0 $0x0, s1;
	[sflag:s0] =	ssyncset.done @!p0 $0x0  }
0xc1: {  	[sflag:s0] =	ssyncadd.s32 @!p0 s1  }
0xc2: {  	[bflag:$0x3] =	sbarrier.arrive $0xFFFF  }
0xc3: {  	_ =	shalt  }

// kernel: kernel.9.cloned.1.call-start
scs
__scs_entry_jumppad:
0x0: {  	(pc) =	sbr.rel $0x88, $3  }
0x1: {  	(tag) =	ssettag $0x0;
	lr =	simm.s32 $0x1  }
0x2: {  	[smem:$0x3F99] =	sst lr;
	_ =	strace $0xD0000000  }
0x3: {  	_ = 	snop  }
0x4: {  	_ = 	snop  }
0x5: {  	_ = 	snop  }
0x6: {  	_ = 	snop  }
0x7: {  	_ = 	snop  }
__scs_overlays_trampoline_lowered:
0x8: {  	[smem:$0x3FA8] =	sst s0  }
0x9: {  	[smem:$0x3FA9] =	sst s1  }
0xa: {  	[smem:$0x3FAA] =	sst s2  }
0xb: {  	[smem:$0x3FAB] =	sst s3  }
0xc: {  	[smem:$0x3FAC] =	sst s4  }
0xd: {  	[smem:$0x3FAD] =	sst s5  }
0xe: {  	[smem:$0x3FAE] =	sst s6  }
0xf: {  	[smem:$0x3FAF] =	sst s7  }
0x10: {  	[smem:$0x3FB0] =	sst s8  }
0x11: {  	[smem:$0x3FB1] =	sst s9;
	s0 =	simm.s32 @!p0 $0x0  }
0x12: {  	s1 =	sld [smem:$0x3F97];
	s0 =	simm.s32 @p0 $0x1  }
0x13: {  	[smem:$0x3FB2] =	sst s0;
	s0 =	simm.s32 @!p1 $0x0  }
0x14: {  	s2 =	sld [smem:$0x3F96];
	s0 =	simm.s32 @p1 $0x1  }
0x15: {  	[smem:$0x3FB3] =	sst s0;
	s0 =	simm.s32 @!p2 $0x0  }
0x16: {  	s3 =	sld [smem:$0x3FDB];
	s0 =	simm.s32 @p2 $0x1  }
0x17: {  	s4 =	simm.s32 $0x1BF5;
	[smem:$0x3FB5] =	sst s0  }
0x18: {  	s0 =	sld [smem:$0x3F98];
	_ =	swait.ge [sflag:s4], $0x0  }
0x19: {  	s7 =	sld [smem:$0x3F99]  }
0x1a: {  	s8 =	sadd.s32 $0xFFFFE003, lr  }
0x1b: {  	s9 =	sadd.s32 $0xFFFFFEF7, lr;
	s5 =	simm.s32 $0xFFFFFFFF;
	p2 =	slt.u32 s8, $0xFFFFF086  }
0x1c: {  	p1 =	slt.u32 s9, $0xF7A;
	s5 =	simm.s32 @!p2 $0x0  }
0x1d: {  	s5 =	simm.s32 @p1 $0x1;
	p0 =	seq.s32 s7, s2  }
0x1e: {  	s7 =	smul.u32 @!p0 $0xF7A, s2;
	p2 =	seq.s32 @!p0 s5, $0x0  }
0x1f: {  	s9 =	smul.u32 $0xF7A, s1;
	s8 =	simm.s32 @!p0 $0x1BF5;
	p2 =	por !p2, p0  }
0x20: {  	[sflag:s8] =	ssyncset.s32 @!p0 $0xFFFFF086;
	s6 =	sadd.s32 @!p0 s3, s7;
	s7 =	simm.s32 @!p0 $0x108  }
0x21: {  	s3 =	sadd.s32 s3, s9;
	s6 =	sadd.s32 @!p0 $0x88, s6;
	s7 =	simm.s32 @p2 $0x1082  }
0x22: {  	[simem:s7], [sflag:s8] =	dma.local @!p0 [hbm:s6], $0xF7A  }
0x23: {  	s9 =	sor.u32 $0xD0000000, s2;
	s6 =	simm.s32 $0x108;
	_ =	swait.ge @!p0 [sflag:s8], $0x0  }
0x24: {  	s3 =	sadd.s32 $0x88, s3;
	s6 =	simm.s32 @!p1 $0x1082;
	[sflag:s4] =	ssyncset.s32 $0xFFFFF086  }
0x25: {  	[simem:s6], [sflag:s4] =	dma.local [hbm:s3], $0xF7A  }
0x26: {  	[smem:$0x3F99] =	sst s1;
	(tag) =	ssettag s2;
	_ =	strace s9  }
0x27: {  	s1 =	sld [smem:$0x3FA9]  }
0x28: {  	s2 =	sld [smem:$0x3FAA]  }
0x29: {  	s4 =	sld [smem:$0x3FAC]  }
0x2a: {  	p0 =	seq.s32 s5, $0x0;
	s5 =	sld [smem:$0x3FAD]  }
0x2b: {  	s6 =	sld [smem:$0x3FAE]  }
0x2c: {  	s7 =	sld [smem:$0x3FAF]  }
0x2d: {  	s3 =	simm.s32 $0x108;
	s8 =	sld [smem:$0x3FB0]  }
0x2e: {  	s3 =	simm.s32 @!p0 $0x1082;
	s9 =	sld [smem:$0x3FB1]  }
0x2f: {  	lr =	sadd.s32 s0, s3;
	s0 =	sld [smem:$0x3FA8]  }
0x30: {  	s3 =	sld [smem:$0x3FAB]  }
0x31: {  	[smem:$0x3FB4] =	sst s10  }
0x32: {  	s10 =	sld [smem:$0x3FB2];
	_ =	sdelay $0x3  }
0x33: {  	p0 =	seq.s32 s10, $0x1;
	s10 =	sld [smem:$0x3FB4];
	_ =	sdelay $0x3  }
0x34: {  	[smem:$0x3FB4] =	sst s10  }
0x35: {  	s10 =	sld [smem:$0x3FB3];
	_ =	sdelay $0x3  }
0x36: {  	p1 =	seq.s32 s10, $0x1;
	s10 =	sld [smem:$0x3FB4];
	_ =	sdelay $0x3  }
0x37: {  	[smem:$0x3FB4] =	sst s10  }
0x38: {  	s10 =	sld [smem:$0x3FB5]  }
0x39: {  	_ = 	snop;
	(pc) =	sbr.ind lr, $3  }
0x3a: {  	_ = 	snop  }
0x3b: {  	_ = 	snop  }
0x3c: {  	p2 =	seq.s32 s10, $0x1;
	s10 =	sld [smem:$0x3FB4]  }
0x3d: {  	_ =	shalt  }
0x3e: {  	_ =	shalt  }
0x3f: {  	_ =	shalt  }
0x40: {  	_ =	shalt  }
0x41: {  	_ =	shalt  }
0x42: {  	_ =	shalt  }
0x43: {  	_ =	shalt  }
0x44: {  	_ =	shalt  }
0x45: {  	_ =	shalt  }
0x46: {  	_ =	shalt  }
0x47: {  	_ =	shalt  }
0x48: {  	_ =	shalt  }
0x49: {  	_ =	shalt  }
0x4a: {  	_ =	shalt  }
0x4b: {  	_ =	shalt  }
0x4c: {  	_ =	shalt  }
0x4d: {  	_ =	shalt  }
0x4e: {  	_ =	shalt  }
0x4f: {  	_ =	shalt  }
0x50: {  	_ =	shalt  }
0x51: {  	_ =	shalt  }
0x52: {  	_ =	shalt  }
0x53: {  	_ =	shalt  }
0x54: {  	_ =	shalt  }
0x55: {  	_ =	shalt  }
0x56: {  	_ =	shalt  }
0x57: {  	_ =	shalt  }
0x58: {  	_ =	shalt  }
0x59: {  	_ =	shalt  }
0x5a: {  	_ =	shalt  }
0x5b: {  	_ =	shalt  }
0x5c: {  	_ =	shalt  }
0x5d: {  	_ =	shalt  }
0x5e: {  	_ =	shalt  }
0x5f: {  	_ =	shalt  }
0x60: {  	_ =	shalt  }
0x61: {  	_ =	shalt  }
0x62: {  	_ =	shalt  }
0x63: {  	_ =	shalt  }
0x64: {  	_ =	shalt  }
0x65: {  	_ =	shalt  }
0x66: {  	_ =	shalt  }
0x67: {  	_ =	shalt  }
0x68: {  	_ =	shalt  }
0x69: {  	_ =	shalt  }
0x6a: {  	_ =	shalt  }
0x6b: {  	_ =	shalt  }
0x6c: {  	_ =	shalt  }
0x6d: {  	_ =	shalt  }
0x6e: {  	_ =	shalt  }
0x6f: {  	_ =	shalt  }
0x70: {  	_ =	shalt  }
0x71: {  	_ =	shalt  }
0x72: {  	_ =	shalt  }
0x73: {  	_ =	shalt  }
0x74: {  	_ =	shalt  }
0x75: {  	_ =	shalt  }
0x76: {  	_ =	shalt  }
0x77: {  	_ =	shalt  }
0x78: {  	_ =	shalt  }
0x79: {  	_ =	shalt  }
0x7a: {  	_ =	shalt  }
0x7b: {  	_ =	shalt  }
0x7c: {  	_ =	shalt  }
0x7d: {  	_ =	shalt  }
0x7e: {  	_ =	shalt  }
0x7f: {  	_ =	shalt  }
0x80: {  	_ =	shalt  }
0x81: {  	_ =	shalt  }
0x82: {  	_ =	shalt  }
0x83: {  	_ =	shalt  }
0x84: {  	_ =	shalt  }
0x85: {  	_ =	shalt  }
0x86: {  	_ =	shalt  }
0x87: {  	_ =	shalt  }
.Lfunc_end0:
.L_simem_size_0:
called_computation.1_lowered:
.L_overlay_start_0:
0x88: {  	s2 =	sld [smem:$0x3FD9]  }
0x89: {  	s3 =	sld [smem:$0x3FFE];
	_ =	sdelay $0x1  }
0x8a: {  	s1 =	srdreg.scid  }
0x8b: {  	s0 =	sand.u32 $0x1, s1  }
0x8c: {  	s14 =	sshll.u32 s0, $0xA;
	s2 =	sadd.s32 s3, s2  }
0x8d: {  	s2 =	sadd.s32 s2, s14  }
0x8e: {  	[smem:$0x3FC0] =	sst s2  }
0x8f: {  	_ = 	snop  }
0x90: {  	s2 =	sld [smem:$0x3FD0];
	_ =	sdelay $0x2  }
0x91: {  	s15 =	simm.s32 $0xA;
	s4 =	simm.s32 $0x10  }
0x92: {  	[smem:s4], [sflag:s15] =	dma.local [hbm:s2], $0x1  }
0x93: {  	_ =	swait.eq [sflag:s15], $0x1  }
0x94: {  	[sflag:s15] =	ssyncset.done $0x0  }
0x95: {  	s16 =	sld [smem:$0x10];
	[sflag:s15] =	ssyncadd.s32 $0xFFFFFFFF  }
0x96: {  	s17 =	sld [smem:$0x11];
	(tm) =	ssettm $0x1  }
0x97: {  	s18 =	sld [smem:$0x3FFB];
	_ =	sdelay $0x3  }
0x98: {  	_ =	strace s18  }
0x99: {  	s4 =	sld [smem:$0x3FFC];
	_ =	sdelay $0x3  }
0x9a: {  	_ =	strace s4  }
0x9b: {  	s4 =	sld [smem:$0x3FFD];
	_ =	sdelay $0x3  }
0x9c: {  	_ =	strace s4  }
0x9d: {  	_ =	strace $0x8FFFFFFF  }
0x9e: {  	s19 =	sld [smem:$0x3FDB];
	_ =	sdelay $0x1  }
0x9f: {  	s5 =	simm.s32 $_scs_section_size  }
0xa0: {  	s6 =	simm.s32 $_size__tile_overlayer_lowered;
	s7 =	simm.s32 $_tile_overlayer_lowered  }
0xa1: {  	s22 =	simm.s32 $0x1BFF;
	s21 =	sshll.u32 s7, $0x1;
	s4 =	sadd.s32 s5, s19  }
0xa2: {  	s8 =	simm.s32 $0x0;
	s20 =	sshll.u32 s6, $0x1;
	s6 =	sadd.s32 s21, s4  }
0xa3: {  	[timem:s8], [sflag:s22] =	dma.local [hbm:s6], s20  }
0xa4: {  	_ =	swait.ge [sflag:s22], s20  }
0xa5: {  	s5 =	ssub.s32 $0x0, s20;
	[sflag:s22] =	ssyncset.done $0x0  }
0xa6: {  	[sflag:s22] =	ssyncadd.s32 s5;
	_ =	sdelay $0x1  }
0xa7: {  	s23 =	simm.s32 $0x1B8B  }
0xa8: {  	_ =	swait.ge [sflag:s23], $0x1  }
0xa9: {  	[sflag:s23] =	ssyncset.done $0x0  }
0xaa: {  	s25 =	simm.s32 $0x1B8E;
	s24 =	sld [smem:$0x3FFE];
	[sflag:s23] =	ssyncadd.s32 $0xFFFFFFFF  }
0xab: {  	s26 =	simm.s32 $execute0_lowered;
	[smem:$0x3FD2] =	sst s25  }
0xac: {  	s6 =	sshll.u32 s26, $0x1;
	_ =	strace $0x80000049;
	[dreg:$0x1] =	wrdreg $0xFFFFFFFF  }
0xad: {  	s28 =	simm.s32 $_size_execute0_lowered;
	s4 =	sadd.s32 s4, s6;
	[dreg:$0x0] =	wrdreg $0x0  }
0xae: {  	s6 =	sshll.u32 s28, $0x1;
	[dreg:$0x2] =	wrdreg s4  }
0xaf: {  	[dreg:$0x3] =	wrdreg s6  }
0xb0: {  	[dreg:$0x4] =	wrdreg $0xC0  }
0xb1: {  	_ =	task [dreg:s8], $0x5FFFF  }
0xb2: {  	[dreg:$0x1] =	wrdreg $0xFFFFFFFF  }
0xb3: {  	[dreg:$0x0] =	wrdreg $0x60  }
0xb4: {  	[dreg:$0x2] =	wrdreg s24  }
0xb5: {  	[dreg:$0x3] =	wrdreg s16  }
0xb6: {  	[dreg:$0x4] =	wrdreg s17  }
0xb7: {  	[dreg:$0x5] =	wrdreg $0x82800  }
0xb8: {  	[dreg:$0x6] =	wrdreg $0x9  }
0xb9: {  	_ =	task.clear_ibuf [dreg:s8], $0x7FFFF;
	_ =	strace $0x90000049  }
0xba: {  	s29 =	simm.s32 $0x9;
	_ =	strace $0x8000004B  }
0xbb: {  	_ =	swait.ge [sflag:s29], $0x1  }
0xbc: {  	[sflag:s29] =	ssyncadd.s32 $0xFFFFFFFF  }
0xbd: {  	_ =	strace $0x9000004B  }
0xbe: {  	_ =	sfence  }
0xbf: {  	s30 =	sld [smem:$0x0];
	_ =	sdelay $0x2  }
0xc0: {  	s31 =	sshll.u32 s1, $0xD;
	s1 =	sshrl.u32 s1, $0x2  }
0xc1: {  	s3 =	sand.u32 $0x4000, s31;
	s1 =	sadd.s32 s1, s30  }
0xc2: {  	s0 =	sor.u32 s3, s0;
	s1 =	sshll.u32 s1, $0x11  }
0xc3: {  	s0 =	sor.u32 s1, s0  }
0xc4: {  	s0 =	sadd.s32 $0x8F2B, s0  }
0xc5: {  	[sflag:s0] =	ssyncadd.remote.s32 $0x1  }
0xc6: {  	_ =	sfence.sel $0xFFFF  }
0xc7: {  	[dreg:$0x0] =	wrdreg $0xFFFFFFFF;
	(pc) =	sbr.abs _section_cstart, $3  }
0xc8: {  	[dreg:$0x1] =	wrdreg $0xFFFFFFFF  }
0xc9: {  	_ =	task.clear_ibuf [dreg:s8], $0x2FFFF;
	_ =	strace $0x9FFFFFFF  }
0xca: {  	(tm) =	ssettm $0x7FFFFFFF  }
0xcb: {  	_ =	shalt  }
tec
execute0_lowered:
.L_overlay_start_1:
0x0: {  	(tag) =	ssettag $0x1  }
0x1: {  	s7 =	rddreg [dreg:$0x0]  }
0x2: {  	s10 =	rddreg [dreg:$0x1]  }
0x3: {  	s2 =	rddreg [dreg:$0x2]  }
0x4: {  	s3 =	rddreg [dreg:$0x3]  }
0x5: {  	s0 =	rddreg [dreg:$0x4];
	s1 =	stileid.u32  }
0x6: {  	s5 =	srdreg.scid;
	s4 =	simm.s32 $0x0;
	s16 =	simm.s32 $0x80  }
0x7: {  	s17 =	simm.s32 $0x200;
	s18 =	simm.s32 $0x100;
	s19 =	simm.s32 $0x180  }
0x8: {  	s20 =	simm.s32 $0x4200;
	s21 =	simm.s32 $0x1;
	s6 =	smul.u32 $0x62, s1  }
0x9: {  	s22 =	simm.s32 $0x2;
	s23 =	simm.s32 $0x0;
	s28 =	smul.u32 $0x3C, s1  }
0xa: {  	s8 =	sand.u32 $0x1, s5;
	[smem:$0x7FF] =	sst s4;
	s12 =	smul.u32 $0x14000, s1  }
0xb: {  	s5 =	sadd.s32 $0xB800, s7;
	s13 =	smul.u32 $0x50000, s1;
	s31 =	sshll.u32 s1, $0x6  }
0xc: {  	s9 =	smul.u32 $0x140000, s8;
	p0 =	seq.s32 s8, $0x0;
	s8 =	ssub.s32 $0x2, s8  }
0xd: {  	_ =	strace $0x8000004A;
	s11 =	sadd.s32 $0x620, s28;
	s14 =	sshrl.u32 s8, $0x1  }
0xe: {  	s13 =	sshrl.u32 s13, $0x2;
	s11 =	smov.u32 @p0 s6;
	s29 =	sadd.s32 s12, s9  }
0xf: {  	s6 =	sadd.s32 $0x33800, s7;
	s14 =	ssub.s32 s8, s14;
	s15 =	sadd.s32 s13, s3  }
0x10: {  	s12 =	simm.s32 $0x8200;
	s13 =	simm.s32 $0x3;
	s11 =	sshll.u32 s11, $0x4  }
0x11: {  	s9 =	sshrl.u32 s29, $0x3;
	s15 =	sshrl.u32 s15, $0x3;
	s30 =	sadd.s32 s11, s7  }
0x12: {  	s9 =	sadd.s32 s9, s7;
	s7 =	simm.s32 $0x31;
	s11 =	sadd.s32 s11, s10  }
0x13: {  	s7 =	simm.s32 @!p0 $0x1E;
	s8 =	sadd.s32 $0x36200, s9;
	s9 =	smax.u32 s14, $0x1  }
0x14: {  	s10 =	sadd.s32 $0x1A10, s30;
	s11 =	sadd.s32 $0x10, s11;
	s14 =	sor.u32 $0x1C03, s31  }
.LBB2_1:
0x15: {  	[tilespmem:s12], [sflag:$0x3] =	stream.linear.gather [hbm4b:s2+s4], $0x80, $0x38;
	[tilespmem:$0x1C280] =	vst v63  }
0x16: {  	_ =	swait.ge [sflag:s13], $0x80  }
0x17: {  	[sflag:s13] =	ssyncset.done $0x0  }
0x18: {  	p1 =	sne.s32 s7, $0x1;
	[sflag:s13] =	ssyncadd.s32 $0xFFFFFF80  }
0x19: {  	[spmem:s15], [sflag:s14] =	dma.local [hbm:s6], $0x2800  }
.Ltmp0:
0x1a: {  	_ =	swait.ge [sflag:s13], $0x2800;
	(pc) =	sbr.rel @!p1 .LBB2_5-.Ltmp0, $4  }
0x1b: {  	[sflag:s13] =	ssyncset.done $0x0  }
0x1c: {  	[sflag:s13] =	ssyncadd.s32 $0xFFFFD800  }
0x1d: {  	s26 =	sadd.s32 $0xFFFFFFFF, s7;
	[bflag:$0x0] =	sbarrier.arrive $0xFFFF  }
0x1e: {  	p0 =	por $0x0, $0x0;
	s24 =	smov.u32 s11;
	s25 =	smov.u32 s10  }
0x1f: {  	s24 =	sadd.s32 $0xFFFFFFF0, s11  }
0x20: {  	[tilespmem:s4], [sflag:$0x3] =	stream.linear.gather [hbm4b:s24+s4], $0x80, $0x38;
	[tilespmem:$0x1C280] =	vst v63  }
0x21: {  	_ =	swait.ge [sflag:s13], $0x80  }
0x22: {  	[sflag:s13] =	ssyncset.done $0x0  }
0x23: {  	s31 =	sadd.s32 $0xFFFFFFF0, s10;
	[sflag:s13] =	ssyncadd.s32 $0xFFFFFF80  }
0x24: {  	[tilespmem:s16], [sflag:$0x3] =	stream.linear.gather [hbm4b:s31+s4], $0x80, $0x38;
	[tilespmem:$0x1C280] =	vst v63  }
0x25: {  	_ =	swait.ge [sflag:s13], $0x80  }
0x26: {  	[sflag:s13] =	ssyncset.done $0x0  }
0x27: {  	[sflag:s13] =	ssyncadd.s32 $0xFFFFFF80  }
0x28: {  	[tilespmem:s17], [sflag:$0x1] =	stream.indirect.gather [hbm4b:s5+s16], $0x80, s4, s16, $0xb8;
	[tilespmem:$0x1C280] =	vst v63  }
0x29: {  	_ = 	snop  }
0x2a: {  	[tilespmem:s18], [sflag:$0x3] =	stream.linear.gather [hbm4b:s11+s4], $0x80, $0x38;
	[tilespmem:$0x1C280] =	vst v63  }
0x2b: {  	_ =	swait.ge [sflag:s13], $0x80  }
0x2c: {  	[sflag:s13] =	ssyncset.done $0x0  }
0x2d: {  	[sflag:s13] =	ssyncadd.s32 $0xFFFFFF80  }
0x2e: {  	[tilespmem:s19], [sflag:$0x3] =	stream.linear.gather [hbm4b:s10+s4], $0x80, $0x38;
	[tilespmem:$0x1C280] =	vst v63  }
0x2f: {  	_ =	swait.ge [sflag:s13], $0x80  }
0x30: {  	[sflag:s13] =	ssyncset.done $0x0  }
0x31: {  	[sflag:s13] =	ssyncadd.s32 $0xFFFFFF80  }
0x32: {  	[tilespmem:s20], [sflag:$0x2] =	stream.indirect.gather [hbm4b:s5+s16], $0x80, s18, s16, $0xb8;
	[tilespmem:$0x1C280] =	vst v63  }
0x33: {  	_ =	swait.ge [sflag:s21], $0x4000  }
0x34: {  	[sflag:s21] =	ssyncset.done $0x0  }
0x35: {  	[sflag:s21] =	ssyncadd.s32 $0xFFFFC000  }
0x36: {  	[spmem:s3] =	stream.indirect.scatter.add.f32 [tilespmem:s17], [sflag:$0x3], $0x80, s16, s16, $0xb8;
	[tilespmem:$0x1C280] =	vst v63  }
0x37: {  	_ =	swait.ge [sflag:s13], $0x4000  }
0x38: {  	[sflag:s13] =	ssyncset.done $0x0  }
0x39: {  	[sflag:s13] =	ssyncadd.s32 $0xFFFFC000  }
0x3a: {  	p1 =	sne.s32 s26, $0x1;
	_ =	swait.ge [sflag:s22], $0x4000  }
.Ltmp1:
0x3b: {  	[sflag:s22] =	ssyncset.done $0x0;
	(pc) =	sbr.rel @!p1 .LBB2_3-.Ltmp1, $4  }
0x3c: {  	[sflag:s22] =	ssyncadd.s32 $0xFFFFC000  }
0x3d: {  	[spmem:s3] =	stream.indirect.scatter.add.f32 [tilespmem:s20], [sflag:$0x3], $0x80, s19, s16, $0xb8;
	[tilespmem:$0x1C280] =	vst v63  }
0x3e: {  	s26 =	sadd.s32 $0xFFFFFFFF, s26;
	p0 =	por $0x1, $0x1;
	_ =	swait.ge [sflag:s13], $0x4000  }
0x3f: {  	s25 =	smov.u32 s10;
	s24 =	sadd.s32 $0x20, s11;
	[sflag:s13] =	ssyncset.done $0x0  }
.LBB2_4:
0x40: {  	s28 =	sadd.s32 $0xFFFFFFF0, s24;
	[sflag:s13] =	ssyncadd.s32 $0xFFFFC000;
	s25 =	sadd.s32 $0x20, s25  }
0x41: {  	[tilespmem:s4], [sflag:$0x3] =	stream.linear.gather [hbm4b:s28+s4], $0x80, $0x38;
	[tilespmem:$0x1C280] =	vst v63  }
0x42: {  	p1 =	sne.s32 s26, $0x1;
	s26 =	sadd.s32 $0xFFFFFFFF, s26;
	_ =	swait.ge [sflag:s13], $0x80  }
0x43: {  	[sflag:s13] =	ssyncset.done $0x0  }
0x44: {  	s28 =	sadd.s32 $0xFFFFFFF0, s25;
	[sflag:s13] =	ssyncadd.s32 $0xFFFFFF80  }
0x45: {  	[tilespmem:s16], [sflag:$0x3] =	stream.linear.gather [hbm4b:s28+s4], $0x80, $0x38;
	[tilespmem:$0x1C280] =	vst v63  }
0x46: {  	_ =	swait.ge [sflag:s13], $0x80  }
0x47: {  	[sflag:s13] =	ssyncset.done $0x0  }
0x48: {  	[sflag:s13] =	ssyncadd.s32 $0xFFFFFF80  }
0x49: {  	[tilespmem:s17], [sflag:$0x1] =	stream.indirect.gather [hbm4b:s5+s16], $0x80, s4, s16, $0xb8;
	[tilespmem:$0x1C280] =	vst v63  }
0x4a: {  	_ = 	snop  }
0x4b: {  	[tilespmem:s18], [sflag:$0x3] =	stream.linear.gather [hbm4b:s24+s4], $0x80, $0x38;
	[tilespmem:$0x1C280] =	vst v63  }
0x4c: {  	_ =	swait.ge [sflag:s13], $0x80  }
0x4d: {  	[sflag:s13] =	ssyncset.done $0x0  }
0x4e: {  	[sflag:s13] =	ssyncadd.s32 $0xFFFFFF80  }
0x4f: {  	[tilespmem:s19], [sflag:$0x3] =	stream.linear.gather [hbm4b:s25+s4], $0x80, $0x38;
	[tilespmem:$0x1C280] =	vst v63  }
0x50: {  	_ =	swait.ge [sflag:s13], $0x80  }
0x51: {  	[sflag:s13] =	ssyncset.done $0x0  }
0x52: {  	[sflag:s13] =	ssyncadd.s32 $0xFFFFFF80  }
0x53: {  	[tilespmem:s20], [sflag:$0x2] =	stream.indirect.gather [hbm4b:s5+s16], $0x80, s18, s16, $0xb8;
	[tilespmem:$0x1C280] =	vst v63  }
0x54: {  	_ =	swait.ge [sflag:s21], $0x4000  }
0x55: {  	[sflag:s21] =	ssyncset.done $0x0  }
0x56: {  	[sflag:s21] =	ssyncadd.s32 $0xFFFFC000  }
0x57: {  	[spmem:s3] =	stream.indirect.scatter.add.f32 [tilespmem:s17], [sflag:$0x3], $0x80, s16, s16, $0xb8;
	[tilespmem:$0x1C280] =	vst v63  }
0x58: {  	_ =	swait.ge [sflag:s13], $0x4000  }
0x59: {  	[sflag:s13] =	ssyncset.done $0x0  }
0x5a: {  	[sflag:s13] =	ssyncadd.s32 $0xFFFFC000  }
0x5b: {  	_ =	swait.ge [sflag:s22], $0x4000  }
.Ltmp2:
0x5c: {  	[sflag:s22] =	ssyncset.done $0x0;
	(pc) =	sbr.rel @p1 .LBB2_4-.Ltmp2, $4  }
0x5d: {  	[sflag:s22] =	ssyncadd.s32 $0xFFFFC000  }
0x5e: {  	[spmem:s3] =	stream.indirect.scatter.add.f32 [tilespmem:s20], [sflag:$0x3], $0x80, s19, s16, $0xb8;
	[tilespmem:$0x1C280] =	vst v63  }
0x5f: {  	_ =	swait.ge [sflag:s13], $0x4000  }
0x60: {  	s24 =	sadd.s32 $0x20, s24;
	[sflag:s13] =	ssyncset.done $0x0  }
.LBB2_5:
0x61: {  	s26 =	sadd.s32 $0xFFFFFFF0, s24;
	[sflag:s13] =	ssyncadd.s32 @p0 $0xFFFFC000  }
0x62: {  	[tilespmem:s4], [sflag:$0x3] =	stream.linear.gather [hbm4b:s26+s4], $0x80, $0x38;
	[tilespmem:$0x1C280] =	vst v63  }
0x63: {  	s25 =	sadd.s32 @p0 $0x20, s25;
	s26 =	smov.u32 s10;
	_ =	swait.ge [sflag:s13], $0x80  }
0x64: {  	s26 =	smov.u32 @p0 s25;
	[sflag:s13] =	ssyncset.done $0x0  }
0x65: {  	s25 =	sadd.s32 $0xFFFFFFF0, s26;
	[sflag:s13] =	ssyncadd.s32 $0xFFFFFF80  }
0x66: {  	[tilespmem:s16], [sflag:$0x3] =	stream.linear.gather [hbm4b:s25+s4], $0x80, $0x38;
	[tilespmem:$0x1C280] =	vst v63  }
0x67: {  	_ =	swait.ge [sflag:s13], $0x80  }
0x68: {  	[sflag:s13] =	ssyncset.done $0x0  }
0x69: {  	[sflag:s13] =	ssyncadd.s32 $0xFFFFFF80  }
0x6a: {  	[tilespmem:s17], [sflag:$0x1] =	stream.indirect.gather [hbm4b:s5+s16], $0x80, s4, s16, $0xb8;
	[tilespmem:$0x1C280] =	vst v63  }
0x6b: {  	_ = 	snop  }
0x6c: {  	[tilespmem:s18], [sflag:$0x3] =	stream.linear.gather [hbm4b:s24+s4], $0x80, $0x38;
	[tilespmem:$0x1C280] =	vst v63  }
0x6d: {  	_ =	swait.ge [sflag:s13], $0x80  }
0x6e: {  	[sflag:s13] =	ssyncset.done $0x0  }
0x6f: {  	[sflag:s13] =	ssyncadd.s32 $0xFFFFFF80  }
0x70: {  	[tilespmem:s19], [sflag:$0x3] =	stream.linear.gather [hbm4b:s26+s4], $0x80, $0x38;
	[tilespmem:$0x1C280] =	vst v63  }
0x71: {  	_ =	swait.ge [sflag:s13], $0x80  }
0x72: {  	[sflag:s13] =	ssyncset.done $0x0  }
0x73: {  	[sflag:s13] =	ssyncadd.s32 $0xFFFFFF80  }
0x74: {  	[tilespmem:s20], [sflag:$0x2] =	stream.indirect.gather [hbm4b:s5+s16], $0x80, s18, s16, $0xb8;
	[tilespmem:$0x1C280] =	vst v63  }
0x75: {  	_ =	swait.ge [sflag:s21], $0x4000  }
0x76: {  	[sflag:s21] =	ssyncset.done $0x0  }
0x77: {  	[sflag:s21] =	ssyncadd.s32 $0xFFFFC000  }
0x78: {  	[spmem:s3] =	stream.indirect.scatter.add.f32 [tilespmem:s17], [sflag:$0x3], $0x80, s16, s16, $0xb8;
	[tilespmem:$0x1C280] =	vst v63  }
0x79: {  	_ =	swait.ge [sflag:s13], $0x4000  }
0x7a: {  	[sflag:s13] =	ssyncset.done $0x0  }
0x7b: {  	[sflag:s13] =	ssyncadd.s32 $0xFFFFC000  }
0x7c: {  	_ =	swait.ge [sflag:s22], $0x4000  }
0x7d: {  	[sflag:s22] =	ssyncset.done $0x0  }
0x7e: {  	[sflag:s22] =	ssyncadd.s32 $0xFFFFC000  }
0x7f: {  	[spmem:s3] =	stream.indirect.scatter.add.f32 [tilespmem:s20], [sflag:$0x3], $0x80, s19, s16, $0xb8;
	[tilespmem:$0x1C280] =	vst v63  }
0x80: {  	_ =	swait.ge [sflag:s13], $0x4000  }
0x81: {  	[sflag:s13] =	ssyncset.done $0x0  }
0x82: {  	s23 =	sadd.s32 $0x1, s23;
	[sflag:s13] =	ssyncadd.s32 $0xFFFFC000  }
0x83: {  	p0 =	sne.s32 s23, s9;
	[bflag:$0x0] =	sbarrier.arrive $0xFFFF  }
0x84: {  	[hbm:s8], [sflag:s14] =	dma.local [spmem:s15], $0x2800  }
.Ltmp3:
0x85: {  	_ = 	snop;
	(pc) =	sbr.rel @p0 .LBB2_1-.Ltmp3, $4  }
.Ltmp4:
0x86: {  	_ = 	snop;
	(pc) =	sbr.rel @!p0 .LBB2_6-.Ltmp4, $4  }
0x87: {  	_ =	swait.ge [sflag:s13], $0x2800  }
0x88: {  	[sflag:s13] =	ssyncset.done $0x0  }
0x89: {  	[sflag:s13] =	ssyncadd.s32 $0xFFFFD800  }
0x8a: {  	_ = 	snop  }
.LBB2_3:
.Ltmp5:
0x8b: {  	(pc) =	sbr.rel .LBB2_5-.Ltmp5, $2  }
0x8c: {  	_ =	sdelay $0x2  }
0x8d: {  	s25 =	smov.u32 s10  }
.LBB2_6:
0x8e: {  	_ =	sfence.sel $0x180000  }
0x8f: {  	[bflag:$0x0] =	sbarrier.arrive $0xFFFF  }
0x90: {  	p0 =	sne.s32 s1, $0x0;
	_ =	strace $0x9000004A  }
0x91: {  	s0 =	sadd.s32 @!p0 $0x100000, s0;
	[bflag:$0x2] =	sbarrier.arrive $0xFFFF  }
0x92: {  	[sflag:s0] =	ssyncadd.tile.s32 @!p0 $0x1;
	_ =	shalt  }
.Lfunc_end2:
_tile_overlayer_lowered:
.L_overlay_start_2:
0x93: {  	(tag) =	ssettag $0x2  }
0x94: {  	s0 =	rddreg [dreg:$0x0];
	s2 =	stileid.u32  }
0x95: {  	s1 =	rddreg [dreg:$0x1];
	p0 =	sne.s32 s2, $0x0  }
0x96: {  	s3 =	rddreg [dreg:$0x2];
	[bflag:$0x3] =	sbarrier.arrive $0xFFFF;
	s2 =	simm.s32 @!p0 $0x1C03  }
0x97: {  	[timem:s3], [sflag:s2] =	dma.local @!p0 [hbm:s0], s1  }
0x98: {  	s0 =	simm.s32 @!p0 $0x3  }
0x99: {  	_ =	swait.ge @!p0 [sflag:s0], s1  }
0x9a: {  	s1 =	ssub.s32 @!p0 $0x0, s1;
	[sflag:s0] =	ssyncset.done @!p0 $0x0  }
0x9b: {  	[sflag:s0] =	ssyncadd.s32 @!p0 s1  }
0x9c: {  	[bflag:$0x3] =	sbarrier.arrive $0xFFFF  }
0x9d: {  	_ =	shalt  }

</sc_bundles>
